<compile_context>
chip_gen: v7x
topology: tpu7x:2x2x1
jax: 0.10.2.dev20260603
libtpu: 0.0.44.dev20260713+nightly
codegen_flags: <defaults>
</compile_context>

<pallas_src>
import dataclasses
import functools

import jax
import jax.numpy as jnp
from jax import lax
from jax.experimental import pallas as pl
from jax.experimental.pallas import tpu as pltpu
from jax.experimental.pallas import tpu_sc as plsc

B = 16384
D = 128
H = 512
EDIM = 64
K = 4096
CC = 0.02

BB = 2048

NC = 2
NS = 16
L = 16
NW = NC * NS
BPW = B // NW


def _enc_body(x_ref, w1t_ref, b1_ref, g_ref, bb_ref, rm_ref, rv_ref,
              w2t_ref, b2_ref, w3t_ref, b3_ref, w4t_ref, b4_ref,
              cbt_ref, cb_ref, z_ref, idx_ref, cbp_ref):
    i = pl.program_id(0)

    @pl.when(i == 0)
    def _pad():
        cbp_ref[...] = jnp.zeros((K, D), jnp.float32)
        cbp_ref[:, 0:EDIM] = cb_ref[...]

    xb = x_ref[...]
    h = jnp.dot(xb, w1t_ref[...], preferred_element_type=jnp.float32) + b1_ref[...]
    h = (h - rm_ref[...]) / jnp.sqrt(rv_ref[...] + 1e-5) * g_ref[...] + bb_ref[...]
    h = jnp.maximum(h, 0.0)
    h = jnp.maximum(jnp.dot(h, w2t_ref[...], preferred_element_type=jnp.float32) + b2_ref[...], 0.0)
    h = jnp.maximum(jnp.dot(h, w3t_ref[...], preferred_element_type=jnp.float32) + b3_ref[...], 0.0)
    z = jnp.dot(h, w4t_ref[...], preferred_element_type=jnp.float32) + b4_ref[...]
    z_ref[...] = z

    zn = jnp.sqrt(jnp.sum(z * z, axis=1, keepdims=True))
    flat_n = z / jnp.maximum(zn, 1e-12)
    cbt = cbt_ref[...]
    cn = jnp.sqrt(jnp.sum(cbt * cbt, axis=0, keepdims=True))
    cb_nt = cbt / jnp.maximum(cn, 1e-12)
    dist = 2.0 - 2.0 * jnp.dot(flat_n, cb_nt, preferred_element_type=jnp.float32)
    idx = jnp.argmin(dist, axis=1, keepdims=True).astype(jnp.int32)
    idx_ref[...] = idx.reshape(BB // 128, 128)


def _dec_body(z_ref, q_ref, cnt_ref, d1t_ref, db1_ref, d2t_ref, db2_ref,
              d3t_ref, db3_ref, d4t_ref, db4_ref,
              xr_ref, vql_ref, ppl_ref, acc_ref):
    i = pl.program_id(0)
    nb = pl.num_programs(0)

    @pl.when(i == 0)
    def _init():
        acc_ref[...] = jnp.zeros_like(acc_ref)

    z = z_ref[...]
    q = q_ref[...][:, :EDIM]
    dif = q - z
    acc_ref[...] += jnp.sum(dif * dif)
    qst = z + (q - z)

    bf16 = jnp.bfloat16
    d = jnp.maximum(jnp.dot(qst.astype(bf16), d1t_ref[...], preferred_element_type=jnp.float32) + db1_ref[...], 0.0)
    d = jnp.maximum(jnp.dot(d.astype(bf16), d2t_ref[...], preferred_element_type=jnp.float32) + db2_ref[...], 0.0)
    d = jnp.maximum(jnp.dot(d.astype(bf16), d3t_ref[...], preferred_element_type=jnp.float32) + db3_ref[...], 0.0)
    xr_ref[...] = jnp.dot(d.astype(bf16), d4t_ref[...], preferred_element_type=jnp.float32) + db4_ref[...]

    @pl.when(i == nb - 1)
    def _fin():
        mean_sq = acc_ref[...] / jnp.float32(B * EDIM)
        vql_ref[...] = mean_sq + jnp.float32(CC) * mean_sq
        counts = jnp.sum(cnt_ref[...], axis=0, keepdims=True)
        avg = counts / jnp.float32(B)
        ent = jnp.sum(avg * jnp.log(avg + 1e-10))
        ppl_ref[...] = jnp.broadcast_to(jnp.exp(-ent), (1, 1))


NCH = BPW // 128


def _sc_body(cb_hbm, idx_hbm, q_hbm, cnt_hbm, idx_v, buf_v, hist_v,
             gsem0, gsem1, zsem):
    c = lax.axis_index("c")
    s = lax.axis_index("s")
    wid = s * NC + c
    base = wid * BPW
    gsems = (gsem0, gsem1)

    pltpu.sync_copy(idx_hbm.at[pl.ds(wid * NCH, NCH)], idx_v)

    @pl.loop(0, K, step=L)
    def _(i):
        for r in range(L):
            hist_v.at[r, pl.ds(i, L)][...] = jnp.zeros((L,), jnp.float32)

    cps = [None, None]
    cps[0] = pltpu.async_copy(cb_hbm.at[idx_v.at[0]], buf_v.at[0], gsems[0])
    for j in range(1, NCH + 1):
        if j <= NCH - 1:
            cps[j % 2] = pltpu.async_copy(cb_hbm.at[idx_v.at[j]],
                                          buf_v.at[j % 2], gsems[j % 2])
        prev = (j - 1) % 2
        cps[prev].wait()
        pltpu.sync_copy(buf_v.at[prev],
                        q_hbm.at[pl.ds(base + (j - 1) * 128, 128)])

    rows = lax.iota(jnp.int32, L)
    ones = jnp.ones((L,), jnp.float32)
    for j in range(NCH):
        @pl.loop(0, 128, step=L)
        def _(i, j=j):
            vec = idx_v[j, pl.ds(i, L)]
            plsc.addupdate_scatter(hist_v, [rows, vec], ones)

    @pl.loop(0, K, step=4 * L)
    def _(i):
        for t in range(4):
            acc = hist_v[0, pl.ds(i + t * L, L)]
            for r in range(1, L):
                acc = acc + hist_v[r, pl.ds(i + t * L, L)]
            hist_v.at[0, pl.ds(i + t * L, L)][...] = acc

    pltpu.sync_copy(hist_v.at[0], cnt_hbm.at[wid])


_sc_cp = pltpu.CompilerParams()
if "needs_layout_passes" in pltpu.CompilerParams.__dataclass_fields__:
    _sc_cp = dataclasses.replace(_sc_cp, needs_layout_passes=False)

_sc_gather_hist = functools.partial(
    pl.kernel,
    compiler_params=_sc_cp,
    mesh=plsc.VectorSubcoreMesh(core_axis_name="c", subcore_axis_name="s"),
    out_type=(
        jax.ShapeDtypeStruct((B, D), jnp.float32),
        jax.ShapeDtypeStruct((NW, K), jnp.float32),
    ),
    scratch_types=[
        pltpu.VMEM((BPW // 128, 128), jnp.int32),
        pltpu.VMEM((2, 128, D), jnp.float32),
        pltpu.VMEM((L, K), jnp.float32),
        pltpu.SemaphoreType.DMA,
        pltpu.SemaphoreType.DMA,
        pltpu.SemaphoreType.DMA,
    ],
)(_sc_body)


def _full(shape):
    return pl.BlockSpec(shape, lambda i: tuple(0 for _ in shape))


def kernel(x, enc_w1, enc_b1, bn_g, bn_b, bn_rm, bn_rv, enc_w2, enc_b2,
           enc_w3, enc_b3, enc_w4, enc_b4, codebook, dec_w1, dec_b1,
           dec_w2, dec_b2, dec_w3, dec_b3, dec_w4, dec_b4):
    f32 = jnp.float32

    enc_ins = (
        x,
        enc_w1.T, enc_b1.reshape(1, H), bn_g.reshape(1, H), bn_b.reshape(1, H),
        bn_rm.reshape(1, H), bn_rv.reshape(1, H),
        enc_w2.T, enc_b2.reshape(1, H),
        enc_w3.T, enc_b3.reshape(1, H // 2),
        enc_w4.T, enc_b4.reshape(1, EDIM),
        codebook.T, codebook,
    )
    z, idx, cb_pad = pl.pallas_call(
        _enc_body,
        grid=(B // BB,),
        in_specs=[pl.BlockSpec((BB, D), lambda i: (i, 0))] + [
            _full(a.shape) for a in enc_ins[1:]
        ],
        out_specs=(
            pl.BlockSpec((BB, EDIM), lambda i: (i, 0)),
            pl.BlockSpec((BB // 128, 128), lambda i: (i, 0)),
            _full((K, D)),
        ),
        out_shape=(
            jax.ShapeDtypeStruct((B, EDIM), f32),
            jax.ShapeDtypeStruct((B // 128, 128), jnp.int32),
            jax.ShapeDtypeStruct((K, D), f32),
        ),
        compiler_params=pltpu.CompilerParams(
            dimension_semantics=("arbitrary",),
        ),
    )(*enc_ins)

    q, cnt = _sc_gather_hist(cb_pad, idx)

    dec_ins = (
        z, q, cnt,
        dec_w1.T.astype(jnp.bfloat16), dec_b1.reshape(1, H // 2),
        dec_w2.T.astype(jnp.bfloat16), dec_b2.reshape(1, H),
        dec_w3.T.astype(jnp.bfloat16), dec_b3.reshape(1, H),
        dec_w4.T.astype(jnp.bfloat16), dec_b4.reshape(1, D),
    )
    xr, vql, ppl = pl.pallas_call(
        _dec_body,
        grid=(B // BB,),
        in_specs=[
            pl.BlockSpec((BB, EDIM), lambda i: (i, 0)),
            pl.BlockSpec((BB, D), lambda i: (i, 0)),
            _full((NW, K)),
        ] + [_full(a.shape) for a in dec_ins[3:]],
        out_specs=(
            pl.BlockSpec((BB, D), lambda i: (i, 0)),
            _full((1, 1)),
            _full((1, 1)),
        ),
        out_shape=(
            jax.ShapeDtypeStruct((B, D), f32),
            jax.ShapeDtypeStruct((1, 1), f32),
            jax.ShapeDtypeStruct((1, 1), f32),
        ),
        scratch_shapes=[pltpu.VMEM((1, 1), f32)],
        compiler_params=pltpu.CompilerParams(
            dimension_semantics=("arbitrary",),
        ),
    )(*dec_ins)
    return (vql.reshape(()), xr, ppl.reshape(()))

# --- scband reference (transcript-rebuilt; emitter-appended) ---
"""Pipeline reference for scband-eeg-vq-vae-33079838114251 (READ-ONLY COPY).

The authoritative reference and input builder live on the scoring server;
editing this copy changes nothing except your own understanding.
"""

import jax, jax.numpy as jnp
import numpy as np

B = 16384
D = 128
H = 512
EDIM = 64
K = 4096
CC = 0.02


def _lin(k, out_d, in_d):
    return jax.random.normal(k, (out_d, in_d), dtype=jnp.float32) * (1.0 / np.sqrt(in_d))


def setup_inputs(seed: int = 0) -> dict:
    key = jax.random.key(seed)
    ks = jax.random.split(key, 16)
    inp = {}
    inp["x"] = jax.random.normal(ks[0], (B, D), dtype=jnp.float32)
    inp["enc_w1"] = _lin(ks[1], H, D)
    inp["enc_b1"] = jnp.zeros((H,), jnp.float32)
    inp["bn_g"] = jnp.ones((H,), jnp.float32)
    inp["bn_b"] = jnp.zeros((H,), jnp.float32)
    inp["bn_rm"] = jnp.zeros((H,), jnp.float32)
    inp["bn_rv"] = jnp.ones((H,), jnp.float32)
    inp["enc_w2"] = _lin(ks[2], H, H)
    inp["enc_b2"] = jnp.zeros((H,), jnp.float32)
    inp["enc_w3"] = _lin(ks[3], H // 2, H)
    inp["enc_b3"] = jnp.zeros((H // 2,), jnp.float32)
    inp["enc_w4"] = _lin(ks[4], EDIM, H // 2)
    inp["enc_b4"] = jnp.zeros((EDIM,), jnp.float32)
    inp["codebook"] = jax.random.uniform(ks[5], (K, EDIM), jnp.float32, -1.0 / K, 1.0 / K)
    inp["dec_w1"] = _lin(ks[6], H // 2, EDIM)
    inp["dec_b1"] = jnp.zeros((H // 2,), jnp.float32)
    inp["dec_w2"] = _lin(ks[7], H, H // 2)
    inp["dec_b2"] = jnp.zeros((H,), jnp.float32)
    inp["dec_w3"] = _lin(ks[8], H, H)
    inp["dec_b3"] = jnp.zeros((H,), jnp.float32)
    inp["dec_w4"] = _lin(ks[9], D, H)
    inp["dec_b4"] = jnp.zeros((D,), jnp.float32)
    return inp


def _normalize(v):
    n = jnp.sqrt(jnp.sum(v * v, axis=1, keepdims=True))
    return v / jnp.maximum(n, 1e-12)


def reference(x, enc_w1, enc_b1, bn_g, bn_b, bn_rm, bn_rv, enc_w2, enc_b2, enc_w3, enc_b3, enc_w4, enc_b4, codebook, dec_w1, dec_b1, dec_w2, dec_b2, dec_w3, dec_b3, dec_w4, dec_b4):
    # encoder
    h = x @ enc_w1.T + enc_b1
    h = (h - bn_rm) / jnp.sqrt(bn_rv + 1e-5) * bn_g + bn_b  # BatchNorm1d eval mode
    h = jax.nn.relu(h)
    h = jax.nn.relu(h @ enc_w2.T + enc_b2)
    h = jax.nn.relu(h @ enc_w3.T + enc_b3)
    z = h @ enc_w4.T + enc_b4  # [B, EDIM]
    # VectorQuantizer: z.unsqueeze(2) -> permute(0,2,1) -> flat [B, EDIM]
    flat = z
    flat_n = _normalize(flat)
    cb_n = _normalize(codebook)
    distances = 2.0 - 2.0 * (flat_n @ cb_n.T)  # [B, K]
    idx = jnp.argmin(distances, axis=1)  # [B]
    quantized = jnp.take(codebook, idx, axis=0)  # [B, EDIM]
    e_latent = jnp.mean((jax.lax.stop_gradient(quantized) - flat) ** 2)
    q_latent = jnp.mean((quantized - jax.lax.stop_gradient(flat)) ** 2)
    vq_loss = q_latent + CC * e_latent
    quantized = flat + jax.lax.stop_gradient(quantized - flat)  # straight-through
    # decoder
    d = jax.nn.relu(quantized @ dec_w1.T + dec_b1)
    d = jax.nn.relu(d @ dec_w2.T + dec_b2)
    d = jax.nn.relu(d @ dec_w3.T + dec_b3)
    x_recon = d @ dec_w4.T + dec_b4
    # perplexity via one-hot scatter
    enc_oh = jax.nn.one_hot(idx, K, dtype=jnp.float32)
    avg_probs = jnp.mean(enc_oh, axis=0)
    perplexity = jnp.exp(-jnp.sum(avg_probs * jnp.log(avg_probs + 1e-10)))
    return (vq_loss, x_recon, perplexity)

if __name__ == "__main__":
    import jax
    _d = setup_inputs()
    print(jax.jit(kernel)(*tuple(_d.values())))

</pallas_src>

<mosaic_0001>
#map = affine_map<(d0, d1) -> (0, 0)>
module attributes {stable_mosaic.version = 14 : i64} {
  func.func @_sc_body(%arg0: i32, %arg1: i32, %arg2: memref<4096x128xf32, #tpu.memory_space<hbm>>, %arg3: memref<128x128xi32, #tpu.memory_space<hbm>>, %arg4: memref<16384x128xf32, #tpu.memory_space<hbm>>, %arg5: memref<32x4096xf32, #tpu.memory_space<hbm>>, %arg6: memref<4x128xi32, #tpu.memory_space<vmem>>, %arg7: memref<2x128x128xf32, #tpu.memory_space<vmem>>, %arg8: memref<16x4096xf32, #tpu.memory_space<vmem>>, %arg9: memref<!tpu.dma_semaphore, #tpu.memory_space<semaphore_mem>>, %arg10: memref<!tpu.dma_semaphore, #tpu.memory_space<semaphore_mem>>, %arg11: memref<!tpu.dma_semaphore, #tpu.memory_space<semaphore_mem>>) attributes {dimension_semantics = [#tpu.dimension_semantics<core_parallel>, #tpu.dimension_semantics<subcore_parallel>], iteration_bounds = array<i64: 2, 16>, scalar_prefetch = 0 : i64, scratch_operands = 6 : i64, tpu.core_type = #tpu.core_type<sc_vector_subcore>, window_params = [{transform_indices = #map}, {transform_indices = #map}, {transform_indices = #map}, {transform_indices = #map}]} {
    %mul3A = arith.constant 2 : i32
    %mul3A_0 = arith.muli %arg1, %mul3A : i32
    %add3A = arith.addi %mul3A_0, %arg0 : i32
    %mul3A_1 = arith.constant 512 : i32
    %mul3A_2 = arith.muli %add3A, %mul3A_1 : i32
    %mul3A_3 = arith.constant 4 : i32
    %mul3A_4 = arith.muli %add3A, %mul3A_3 : i32
    "tpu.region"() ({
      %run_scoped3A_141 = tpu.sem_alloc : memref<!tpu.dma_semaphore, #tpu.memory_space<semaphore_mem>>
      %dma_start3A_142 = arith.constant 0 : i32
      %dma_start3A_143 = tpu.memref_slice %arg3[%mul3A_4, %dma_start3A_142] : memref<128x128xi32, #tpu.memory_space<hbm>> -> memref<4x128xi32, #tpu.memory_space<hbm>>
      %dma_start3A_144 = arith.constant 0 : i32
      %dma_start3A_145 = tpu.memref_slice %arg3[%mul3A_4, %dma_start3A_144] : memref<128x128xi32, #tpu.memory_space<hbm>> -> memref<4x128xi32, #tpu.memory_space<hbm>>
      tpu.enqueue_dma source(%dma_start3A_145 : memref<4x128xi32, #tpu.memory_space<hbm>>) target(%arg6 : memref<4x128xi32, #tpu.memory_space<vmem>>) target_semaphore(%run_scoped3A_141 : memref<!tpu.dma_semaphore, #tpu.memory_space<semaphore_mem>>)
      %dma_wait3A_146 = arith.constant 0 : i32
      %dma_wait3A_147 = tpu.memref_slice %arg3[%mul3A_4, %dma_wait3A_146] : memref<128x128xi32, #tpu.memory_space<hbm>> -> memref<4x128xi32, #tpu.memory_space<hbm>>
      %dma_wait3A_148 = arith.constant 0 : i32
      %dma_wait3A_149 = tpu.memref_slice %arg3[%mul3A_4, %dma_wait3A_148] : memref<128x128xi32, #tpu.memory_space<hbm>> -> memref<4x128xi32, #tpu.memory_space<hbm>>
      tpu.wait_dma2 semaphore(%run_scoped3A_141 : memref<!tpu.dma_semaphore, #tpu.memory_space<semaphore_mem>>) src(%dma_wait3A_149 : memref<4x128xi32, #tpu.memory_space<hbm>>) dst(%arg6 : memref<4x128xi32, #tpu.memory_space<vmem>>)
      tpu.yield
    }) : () -> ()
    %scan3A = arith.constant 0 : i32
    %scan3A_5 = arith.constant 256 : i32
    %scan3A_6 = arith.addi %scan3A, %scan3A_5 : i32
    %scan3A_7 = arith.constant 1 : i32
    scf.for %scan3A_141 = %scan3A to %scan3A_6 step %scan3A_7  : i32 {
      %mul3A_142 = arith.constant 16 : i32
      %mul3A_143 = arith.muli %scan3A_141, %mul3A_142 : i32
      %add3A_144 = arith.constant 0 : i32
      %add3A_145 = arith.addi %add3A_144, %mul3A_143 : i32
      %broadcast_in_dim3A_146 = arith.constant 0.000000e+00 : f32
      %broadcast_in_dim3A_147 = vector.broadcast %broadcast_in_dim3A_146 : f32 to vector<16xf32>
      %swap3A = arith.constant 0 : i32
      %swap3A_148 = arith.index_cast %swap3A : i32 to index
      %swap3A_149 = arith.index_cast %add3A_145 : i32 to index
      %swap3A_150 = tpu.vector_load %arg8[%swap3A_148, %swap3A_149] {strides = array<i32>} : memref<16x4096xf32, #tpu.memory_space<vmem>>, vector<16xf32>,
      tpu.vector_store %arg8[%swap3A_148, %swap3A_149], %broadcast_in_dim3A_147 {strides = array<i32>} : memref<16x4096xf32, #tpu.memory_space<vmem>>, vector<16xf32>,
      %broadcast_in_dim3A_151 = arith.constant 0.000000e+00 : f32
      %broadcast_in_dim3A_152 = vector.broadcast %broadcast_in_dim3A_151 : f32 to vector<16xf32>
      %swap3A_153 = arith.constant 1 : i32
      %swap3A_154 = arith.index_cast %swap3A_153 : i32 to index
      %swap3A_155 = arith.index_cast %add3A_145 : i32 to index
      %swap3A_156 = tpu.vector_load %arg8[%swap3A_154, %swap3A_155] {strides = array<i32>} : memref<16x4096xf32, #tpu.memory_space<vmem>>, vector<16xf32>,
      tpu.vector_store %arg8[%swap3A_154, %swap3A_155], %broadcast_in_dim3A_152 {strides = array<i32>} : memref<16x4096xf32, #tpu.memory_space<vmem>>, vector<16xf32>,
      %broadcast_in_dim3A_157 = arith.constant 0.000000e+00 : f32
      %broadcast_in_dim3A_158 = vector.broadcast %broadcast_in_dim3A_157 : f32 to vector<16xf32>
      %swap3A_159 = arith.constant 2 : i32
      %swap3A_160 = arith.index_cast %swap3A_159 : i32 to index
      %swap3A_161 = arith.index_cast %add3A_145 : i32 to index
      %swap3A_162 = tpu.vector_load %arg8[%swap3A_160, %swap3A_161] {strides = array<i32>} : memref<16x4096xf32, #tpu.memory_space<vmem>>, vector<16xf32>,
      tpu.vector_store %arg8[%swap3A_160, %swap3A_161], %broadcast_in_dim3A_158 {strides = array<i32>} : memref<16x4096xf32, #tpu.memory_space<vmem>>, vector<16xf32>,
      %broadcast_in_dim3A_163 = arith.constant 0.000000e+00 : f32
      %broadcast_in_dim3A_164 = vector.broadcast %broadcast_in_dim3A_163 : f32 to vector<16xf32>
      %swap3A_165 = arith.constant 3 : i32
      %swap3A_166 = arith.index_cast %swap3A_165 : i32 to index
      %swap3A_167 = arith.index_cast %add3A_145 : i32 to index
      %swap3A_168 = tpu.vector_load %arg8[%swap3A_166, %swap3A_167] {strides = array<i32>} : memref<16x4096xf32, #tpu.memory_space<vmem>>, vector<16xf32>,
      tpu.vector_store %arg8[%swap3A_166, %swap3A_167], %broadcast_in_dim3A_164 {strides = array<i32>} : memref<16x4096xf32, #tpu.memory_space<vmem>>, vector<16xf32>,
      %broadcast_in_dim3A_169 = arith.constant 0.000000e+00 : f32
      %broadcast_in_dim3A_170 = vector.broadcast %broadcast_in_dim3A_169 : f32 to vector<16xf32>
      %swap3A_171 = arith.constant 4 : i32
      %swap3A_172 = arith.index_cast %swap3A_171 : i32 to index
      %swap3A_173 = arith.index_cast %add3A_145 : i32 to index
      %swap3A_174 = tpu.vector_load %arg8[%swap3A_172, %swap3A_173] {strides = array<i32>} : memref<16x4096xf32, #tpu.memory_space<vmem>>, vector<16xf32>,
      tpu.vector_store %arg8[%swap3A_172, %swap3A_173], %broadcast_in_dim3A_170 {strides = array<i32>} : memref<16x4096xf32, #tpu.memory_space<vmem>>, vector<16xf32>,
      %broadcast_in_dim3A_175 = arith.constant 0.000000e+00 : f32
      %broadcast_in_dim3A_176 = vector.broadcast %broadcast_in_dim3A_175 : f32 to vector<16xf32>
      %swap3A_177 = arith.constant 5 : i32
      %swap3A_178 = arith.index_cast %swap3A_177 : i32 to index
      %swap3A_179 = arith.index_cast %add3A_145 : i32 to index
      %swap3A_180 = tpu.vector_load %arg8[%swap3A_178, %swap3A_179] {strides = array<i32>} : memref<16x4096xf32, #tpu.memory_space<vmem>>, vector<16xf32>,
      tpu.vector_store %arg8[%swap3A_178, %swap3A_179], %broadcast_in_dim3A_176 {strides = array<i32>} : memref<16x4096xf32, #tpu.memory_space<vmem>>, vector<16xf32>,
      %broadcast_in_dim3A_181 = arith.constant 0.000000e+00 : f32
      %broadcast_in_dim3A_182 = vector.broadcast %broadcast_in_dim3A_181 : f32 to vector<16xf32>
      %swap3A_183 = arith.constant 6 : i32
      %swap3A_184 = arith.index_cast %swap3A_183 : i32 to index
      %swap3A_185 = arith.index_cast %add3A_145 : i32 to index
      %swap3A_186 = tpu.vector_load %arg8[%swap3A_184, %swap3A_185] {strides = array<i32>} : memref<16x4096xf32, #tpu.memory_space<vmem>>, vector<16xf32>,
      tpu.vector_store %arg8[%swap3A_184, %swap3A_185], %broadcast_in_dim3A_182 {strides = array<i32>} : memref<16x4096xf32, #tpu.memory_space<vmem>>, vector<16xf32>,
      %broadcast_in_dim3A_187 = arith.constant 0.000000e+00 : f32
      %broadcast_in_dim3A_188 = vector.broadcast %broadcast_in_dim3A_187 : f32 to vector<16xf32>
      %swap3A_189 = arith.constant 7 : i32
      %swap3A_190 = arith.index_cast %swap3A_189 : i32 to index
      %swap3A_191 = arith.index_cast %add3A_145 : i32 to index
      %swap3A_192 = tpu.vector_load %arg8[%swap3A_190, %swap3A_191] {strides = array<i32>} : memref<16x4096xf32, #tpu.memory_space<vmem>>, vector<16xf32>,
      tpu.vector_store %arg8[%swap3A_190, %swap3A_191], %broadcast_in_dim3A_188 {strides = array<i32>} : memref<16x4096xf32, #tpu.memory_space<vmem>>, vector<16xf32>,
      %broadcast_in_dim3A_193 = arith.constant 0.000000e+00 : f32
      %broadcast_in_dim3A_194 = vector.broadcast %broadcast_in_dim3A_193 : f32 to vector<16xf32>
      %swap3A_195 = arith.constant 8 : i32
      %swap3A_196 = arith.index_cast %swap3A_195 : i32 to index
      %swap3A_197 = arith.index_cast %add3A_145 : i32 to index
      %swap3A_198 = tpu.vector_load %arg8[%swap3A_196, %swap3A_197] {strides = array<i32>} : memref<16x4096xf32, #tpu.memory_space<vmem>>, vector<16xf32>,
      tpu.vector_store %arg8[%swap3A_196, %swap3A_197], %broadcast_in_dim3A_194 {strides = array<i32>} : memref<16x4096xf32, #tpu.memory_space<vmem>>, vector<16xf32>,
      %broadcast_in_dim3A_199 = arith.constant 0.000000e+00 : f32
      %broadcast_in_dim3A_200 = vector.broadcast %broadcast_in_dim3A_199 : f32 to vector<16xf32>
      %swap3A_201 = arith.constant 9 : i32
      %swap3A_202 = arith.index_cast %swap3A_201 : i32 to index
      %swap3A_203 = arith.index_cast %add3A_145 : i32 to index
      %swap3A_204 = tpu.vector_load %arg8[%swap3A_202, %swap3A_203] {strides = array<i32>} : memref<16x4096xf32, #tpu.memory_space<vmem>>, vector<16xf32>,
      tpu.vector_store %arg8[%swap3A_202, %swap3A_203], %broadcast_in_dim3A_200 {strides = array<i32>} : memref<16x4096xf32, #tpu.memory_space<vmem>>, vector<16xf32>,
      %broadcast_in_dim3A_205 = arith.constant 0.000000e+00 : f32
      %broadcast_in_dim3A_206 = vector.broadcast %broadcast_in_dim3A_205 : f32 to vector<16xf32>
      %swap3A_207 = arith.constant 10 : i32
      %swap3A_208 = arith.index_cast %swap3A_207 : i32 to index
      %swap3A_209 = arith.index_cast %add3A_145 : i32 to index
      %swap3A_210 = tpu.vector_load %arg8[%swap3A_208, %swap3A_209] {strides = array<i32>} : memref<16x4096xf32, #tpu.memory_space<vmem>>, vector<16xf32>,
      tpu.vector_store %arg8[%swap3A_208, %swap3A_209], %broadcast_in_dim3A_206 {strides = array<i32>} : memref<16x4096xf32, #tpu.memory_space<vmem>>, vector<16xf32>,
      %broadcast_in_dim3A_211 = arith.constant 0.000000e+00 : f32
      %broadcast_in_dim3A_212 = vector.broadcast %broadcast_in_dim3A_211 : f32 to vector<16xf32>
      %swap3A_213 = arith.constant 11 : i32
      %swap3A_214 = arith.index_cast %swap3A_213 : i32 to index
      %swap3A_215 = arith.index_cast %add3A_145 : i32 to index
      %swap3A_216 = tpu.vector_load %arg8[%swap3A_214, %swap3A_215] {strides = array<i32>} : memref<16x4096xf32, #tpu.memory_space<vmem>>, vector<16xf32>,
      tpu.vector_store %arg8[%swap3A_214, %swap3A_215], %broadcast_in_dim3A_212 {strides = array<i32>} : memref<16x4096xf32, #tpu.memory_space<vmem>>, vector<16xf32>,
      %broadcast_in_dim3A_217 = arith.constant 0.000000e+00 : f32
      %broadcast_in_dim3A_218 = vector.broadcast %broadcast_in_dim3A_217 : f32 to vector<16xf32>
      %swap3A_219 = arith.constant 12 : i32
      %swap3A_220 = arith.index_cast %swap3A_219 : i32 to index
      %swap3A_221 = arith.index_cast %add3A_145 : i32 to index
      %swap3A_222 = tpu.vector_load %arg8[%swap3A_220, %swap3A_221] {strides = array<i32>} : memref<16x4096xf32, #tpu.memory_space<vmem>>, vector<16xf32>,
      tpu.vector_store %arg8[%swap3A_220, %swap3A_221], %broadcast_in_dim3A_218 {strides = array<i32>} : memref<16x4096xf32, #tpu.memory_space<vmem>>, vector<16xf32>,
      %broadcast_in_dim3A_223 = arith.constant 0.000000e+00 : f32
      %broadcast_in_dim3A_224 = vector.broadcast %broadcast_in_dim3A_223 : f32 to vector<16xf32>
      %swap3A_225 = arith.constant 13 : i32
      %swap3A_226 = arith.index_cast %swap3A_225 : i32 to index
      %swap3A_227 = arith.index_cast %add3A_145 : i32 to index
      %swap3A_228 = tpu.vector_load %arg8[%swap3A_226, %swap3A_227] {strides = array<i32>} : memref<16x4096xf32, #tpu.memory_space<vmem>>, vector<16xf32>,
      tpu.vector_store %arg8[%swap3A_226, %swap3A_227], %broadcast_in_dim3A_224 {strides = array<i32>} : memref<16x4096xf32, #tpu.memory_space<vmem>>, vector<16xf32>,
      %broadcast_in_dim3A_229 = arith.constant 0.000000e+00 : f32
      %broadcast_in_dim3A_230 = vector.broadcast %broadcast_in_dim3A_229 : f32 to vector<16xf32>
      %swap3A_231 = arith.constant 14 : i32
      %swap3A_232 = arith.index_cast %swap3A_231 : i32 to index
      %swap3A_233 = arith.index_cast %add3A_145 : i32 to index
      %swap3A_234 = tpu.vector_load %arg8[%swap3A_232, %swap3A_233] {strides = array<i32>} : memref<16x4096xf32, #tpu.memory_space<vmem>>, vector<16xf32>,
      tpu.vector_store %arg8[%swap3A_232, %swap3A_233], %broadcast_in_dim3A_230 {strides = array<i32>} : memref<16x4096xf32, #tpu.memory_space<vmem>>, vector<16xf32>,
      %broadcast_in_dim3A_235 = arith.constant 0.000000e+00 : f32
      %broadcast_in_dim3A_236 = vector.broadcast %broadcast_in_dim3A_235 : f32 to vector<16xf32>
      %swap3A_237 = arith.constant 15 : i32
      %swap3A_238 = arith.index_cast %swap3A_237 : i32 to index
      %swap3A_239 = arith.index_cast %add3A_145 : i32 to index
      %swap3A_240 = tpu.vector_load %arg8[%swap3A_238, %swap3A_239] {strides = array<i32>} : memref<16x4096xf32, #tpu.memory_space<vmem>>, vector<16xf32>,
      tpu.vector_store %arg8[%swap3A_238, %swap3A_239], %broadcast_in_dim3A_236 {strides = array<i32>} : memref<16x4096xf32, #tpu.memory_space<vmem>>, vector<16xf32>,
    }
    %scan3A_8 = arith.constant 256 : i32
    %dma_start3A = arith.constant 0 : i32
    %dma_start3A_9 = arith.constant 0 : i32
    %dma_start3A_10 = arith.constant 0 : i32
    %dma_start3A_11 = arith.constant 0 : i32
    %dma_start3A_12 = tpu.memref_slice %arg7[%dma_start3A_9, %dma_start3A_10, %dma_start3A_11] : memref<2x128x128xf32, #tpu.memory_space<vmem>> -> memref<1x128x128xf32, #tpu.memory_space<vmem>>
    %dma_start3A_13 = tpu.memref_squeeze %dma_start3A_12 : memref<1x128x128xf32, #tpu.memory_space<vmem>> -> memref<128x128xf32, #tpu.memory_space<vmem>>
    %dma_start3A_14 = arith.constant 0 : i32
    %dma_start3A_15 = tpu.memref_slice %arg6[%dma_start3A, %dma_start3A_14] : memref<4x128xi32, #tpu.memory_space<vmem>> -> memref<1x128xi32, #tpu.memory_space<vmem>>
    %dma_start3A_16 = tpu.memref_squeeze %dma_start3A_15 : memref<1x128xi32, #tpu.memory_space<vmem>> -> memref<128xi32, #tpu.memory_space<vmem>>
    %dma_start3A_17 = arith.constant 0 : i32
    %dma_start3A_18 = arith.constant 0 : i32
    %dma_start3A_19 = tpu.memref_slice %arg2[%dma_start3A_17, %dma_start3A_18] : memref<4096x128xf32, #tpu.memory_space<hbm>> -> memref<4096x128xf32, #tpu.memory_space<hbm>>
    tpu.enqueue_indirect_dma source(%dma_start3A_19 : memref<4096x128xf32, #tpu.memory_space<hbm>>) target(%dma_start3A_13 : memref<128x128xf32, #tpu.memory_space<vmem>>) offsets(%dma_start3A_16 : memref<128xi32, #tpu.memory_space<vmem>>) semaphore(%arg9 : memref<!tpu.dma_semaphore, #tpu.memory_space<semaphore_mem>>)
    %dma_start3A_20 = arith.constant 1 : i32
    %dma_start3A_21 = arith.constant 1 : i32
    %dma_start3A_22 = arith.constant 0 : i32
    %dma_start3A_23 = arith.constant 0 : i32
    %dma_start3A_24 = tpu.memref_slice %arg7[%dma_start3A_21, %dma_start3A_22, %dma_start3A_23] : memref<2x128x128xf32, #tpu.memory_space<vmem>> -> memref<1x128x128xf32, #tpu.memory_space<vmem>>
    %dma_start3A_25 = tpu.memref_squeeze %dma_start3A_24 : memref<1x128x128xf32, #tpu.memory_space<vmem>> -> memref<128x128xf32, #tpu.memory_space<vmem>>
    %dma_start3A_26 = arith.constant 0 : i32
    %dma_start3A_27 = tpu.memref_slice %arg6[%dma_start3A_20, %dma_start3A_26] : memref<4x128xi32, #tpu.memory_space<vmem>> -> memref<1x128xi32, #tpu.memory_space<vmem>>
    %dma_start3A_28 = tpu.memref_squeeze %dma_start3A_27 : memref<1x128xi32, #tpu.memory_space<vmem>> -> memref<128xi32, #tpu.memory_space<vmem>>
    %dma_start3A_29 = arith.constant 0 : i32
    %dma_start3A_30 = arith.constant 0 : i32
    %dma_start3A_31 = tpu.memref_slice %arg2[%dma_start3A_29, %dma_start3A_30] : memref<4096x128xf32, #tpu.memory_space<hbm>> -> memref<4096x128xf32, #tpu.memory_space<hbm>>
    tpu.enqueue_indirect_dma source(%dma_start3A_31 : memref<4096x128xf32, #tpu.memory_space<hbm>>) target(%dma_start3A_25 : memref<128x128xf32, #tpu.memory_space<vmem>>) offsets(%dma_start3A_28 : memref<128xi32, #tpu.memory_space<vmem>>) semaphore(%arg10 : memref<!tpu.dma_semaphore, #tpu.memory_space<semaphore_mem>>)
    %dma_wait3A = arith.constant 0 : i32
    %dma_wait3A_32 = arith.constant 0 : i32
    %dma_wait3A_33 = arith.constant 0 : i32
    %dma_wait3A_34 = arith.constant 0 : i32
    %dma_wait3A_35 = tpu.memref_slice %arg7[%dma_wait3A_32, %dma_wait3A_33, %dma_wait3A_34] : memref<2x128x128xf32, #tpu.memory_space<vmem>> -> memref<1x128x128xf32, #tpu.memory_space<vmem>>
    %dma_wait3A_36 = tpu.memref_squeeze %dma_wait3A_35 : memref<1x128x128xf32, #tpu.memory_space<vmem>> -> memref<128x128xf32, #tpu.memory_space<vmem>>
    %dma_wait3A_37 = arith.constant 0 : i32
    %dma_wait3A_38 = tpu.memref_slice %arg6[%dma_wait3A, %dma_wait3A_37] : memref<4x128xi32, #tpu.memory_space<vmem>> -> memref<1x128xi32, #tpu.memory_space<vmem>>
    %dma_wait3A_39 = tpu.memref_squeeze %dma_wait3A_38 : memref<1x128xi32, #tpu.memory_space<vmem>> -> memref<128xi32, #tpu.memory_space<vmem>>
    %dma_wait3A_40 = arith.constant 0 : i32
    %dma_wait3A_41 = arith.constant 0 : i32
    %dma_wait3A_42 = tpu.memref_slice %arg2[%dma_wait3A_40, %dma_wait3A_41] : memref<4096x128xf32, #tpu.memory_space<hbm>> -> memref<4096x128xf32, #tpu.memory_space<hbm>>
    tpu.wait_indirect_dma semaphore(%arg9 : memref<!tpu.dma_semaphore, #tpu.memory_space<semaphore_mem>>) src(%dma_wait3A_42 : memref<4096x128xf32, #tpu.memory_space<hbm>>) dst(%dma_wait3A_36 : memref<128x128xf32, #tpu.memory_space<vmem>>)
    %add3A_43 = arith.constant 0 : i32
    %add3A_44 = arith.addi %mul3A_2, %add3A_43 : i32
    %run_scoped3A = arith.constant 0 : i32
    "tpu.region"() ({
      %run_scoped3A_141 = tpu.sem_alloc : memref<!tpu.dma_semaphore, #tpu.memory_space<semaphore_mem>>
      %dma_start3A_142 = arith.constant 0 : i32
      %dma_start3A_143 = arith.constant 0 : i32
      %dma_start3A_144 = tpu.memref_slice %arg7[%run_scoped3A, %dma_start3A_142, %dma_start3A_143] : memref<2x128x128xf32, #tpu.memory_space<vmem>> -> memref<1x128x128xf32, #tpu.memory_space<vmem>>
      %dma_start3A_145 = tpu.memref_squeeze %dma_start3A_144 : memref<1x128x128xf32, #tpu.memory_space<vmem>> -> memref<128x128xf32, #tpu.memory_space<vmem>>
      %dma_start3A_146 = arith.constant 0 : i32
      %dma_start3A_147 = tpu.memref_slice %arg4[%add3A_44, %dma_start3A_146] : memref<16384x128xf32, #tpu.memory_space<hbm>> -> memref<128x128xf32, #tpu.memory_space<hbm>>
      %dma_start3A_148 = arith.constant 0 : i32
      %dma_start3A_149 = tpu.memref_slice %arg4[%add3A_44, %dma_start3A_148] : memref<16384x128xf32, #tpu.memory_space<hbm>> -> memref<128x128xf32, #tpu.memory_space<hbm>>
      %dma_start3A_150 = arith.constant 0 : i32
      %dma_start3A_151 = arith.constant 0 : i32
      %dma_start3A_152 = tpu.memref_slice %arg7[%run_scoped3A, %dma_start3A_150, %dma_start3A_151] : memref<2x128x128xf32, #tpu.memory_space<vmem>> -> memref<1x128x128xf32, #tpu.memory_space<vmem>>
      %dma_start3A_153 = tpu.memref_squeeze %dma_start3A_152 : memref<1x128x128xf32, #tpu.memory_space<vmem>> -> memref<128x128xf32, #tpu.memory_space<vmem>>
      tpu.enqueue_dma source(%dma_start3A_153 : memref<128x128xf32, #tpu.memory_space<vmem>>) target(%dma_start3A_149 : memref<128x128xf32, #tpu.memory_space<hbm>>) target_semaphore(%run_scoped3A_141 : memref<!tpu.dma_semaphore, #tpu.memory_space<semaphore_mem>>)
      %dma_wait3A_154 = arith.constant 0 : i32
      %dma_wait3A_155 = arith.constant 0 : i32
      %dma_wait3A_156 = tpu.memref_slice %arg7[%run_scoped3A, %dma_wait3A_154, %dma_wait3A_155] : memref<2x128x128xf32, #tpu.memory_space<vmem>> -> memref<1x128x128xf32, #tpu.memory_space<vmem>>
      %dma_wait3A_157 = tpu.memref_squeeze %dma_wait3A_156 : memref<1x128x128xf32, #tpu.memory_space<vmem>> -> memref<128x128xf32, #tpu.memory_space<vmem>>
      %dma_wait3A_158 = arith.constant 0 : i32
      %dma_wait3A_159 = tpu.memref_slice %arg4[%add3A_44, %dma_wait3A_158] : memref<16384x128xf32, #tpu.memory_space<hbm>> -> memref<128x128xf32, #tpu.memory_space<hbm>>
      %dma_wait3A_160 = arith.constant 0 : i32
      %dma_wait3A_161 = tpu.memref_slice %arg4[%add3A_44, %dma_wait3A_160] : memref<16384x128xf32, #tpu.memory_space<hbm>> -> memref<128x128xf32, #tpu.memory_space<hbm>>
      %dma_wait3A_162 = arith.constant 0 : i32
      %dma_wait3A_163 = arith.constant 0 : i32
      %dma_wait3A_164 = tpu.memref_slice %arg7[%run_scoped3A, %dma_wait3A_162, %dma_wait3A_163] : memref<2x128x128xf32, #tpu.memory_space<vmem>> -> memref<1x128x128xf32, #tpu.memory_space<vmem>>
      %dma_wait3A_165 = tpu.memref_squeeze %dma_wait3A_164 : memref<1x128x128xf32, #tpu.memory_space<vmem>> -> memref<128x128xf32, #tpu.memory_space<vmem>>
      tpu.wait_dma2 semaphore(%run_scoped3A_141 : memref<!tpu.dma_semaphore, #tpu.memory_space<semaphore_mem>>) src(%dma_wait3A_165 : memref<128x128xf32, #tpu.memory_space<vmem>>) dst(%dma_wait3A_161 : memref<128x128xf32, #tpu.memory_space<hbm>>)
      tpu.yield
    }) : () -> ()
    %dma_start3A_45 = arith.constant 2 : i32
    %dma_start3A_46 = arith.constant 0 : i32
    %dma_start3A_47 = arith.constant 0 : i32
    %dma_start3A_48 = arith.constant 0 : i32
    %dma_start3A_49 = tpu.memref_slice %arg7[%dma_start3A_46, %dma_start3A_47, %dma_start3A_48] : memref<2x128x128xf32, #tpu.memory_space<vmem>> -> memref<1x128x128xf32, #tpu.memory_space<vmem>>
    %dma_start3A_50 = tpu.memref_squeeze %dma_start3A_49 : memref<1x128x128xf32, #tpu.memory_space<vmem>> -> memref<128x128xf32, #tpu.memory_space<vmem>>
    %dma_start3A_51 = arith.constant 0 : i32
    %dma_start3A_52 = tpu.memref_slice %arg6[%dma_start3A_45, %dma_start3A_51] : memref<4x128xi32, #tpu.memory_space<vmem>> -> memref<1x128xi32, #tpu.memory_space<vmem>>
    %dma_start3A_53 = tpu.memref_squeeze %dma_start3A_52 : memref<1x128xi32, #tpu.memory_space<vmem>> -> memref<128xi32, #tpu.memory_space<vmem>>
    %dma_start3A_54 = arith.constant 0 : i32
    %dma_start3A_55 = arith.constant 0 : i32
    %dma_start3A_56 = tpu.memref_slice %arg2[%dma_start3A_54, %dma_start3A_55] : memref<4096x128xf32, #tpu.memory_space<hbm>> -> memref<4096x128xf32, #tpu.memory_space<hbm>>
    tpu.enqueue_indirect_dma source(%dma_start3A_56 : memref<4096x128xf32, #tpu.memory_space<hbm>>) target(%dma_start3A_50 : memref<128x128xf32, #tpu.memory_space<vmem>>) offsets(%dma_start3A_53 : memref<128xi32, #tpu.memory_space<vmem>>) semaphore(%arg9 : memref<!tpu.dma_semaphore, #tpu.memory_space<semaphore_mem>>)
    %dma_wait3A_57 = arith.constant 1 : i32
    %dma_wait3A_58 = arith.constant 1 : i32
    %dma_wait3A_59 = arith.constant 0 : i32
    %dma_wait3A_60 = arith.constant 0 : i32
    %dma_wait3A_61 = tpu.memref_slice %arg7[%dma_wait3A_58, %dma_wait3A_59, %dma_wait3A_60] : memref<2x128x128xf32, #tpu.memory_space<vmem>> -> memref<1x128x128xf32, #tpu.memory_space<vmem>>
    %dma_wait3A_62 = tpu.memref_squeeze %dma_wait3A_61 : memref<1x128x128xf32, #tpu.memory_space<vmem>> -> memref<128x128xf32, #tpu.memory_space<vmem>>
    %dma_wait3A_63 = arith.constant 0 : i32
    %dma_wait3A_64 = tpu.memref_slice %arg6[%dma_wait3A_57, %dma_wait3A_63] : memref<4x128xi32, #tpu.memory_space<vmem>> -> memref<1x128xi32, #tpu.memory_space<vmem>>
    %dma_wait3A_65 = tpu.memref_squeeze %dma_wait3A_64 : memref<1x128xi32, #tpu.memory_space<vmem>> -> memref<128xi32, #tpu.memory_space<vmem>>
    %dma_wait3A_66 = arith.constant 0 : i32
    %dma_wait3A_67 = arith.constant 0 : i32
    %dma_wait3A_68 = tpu.memref_slice %arg2[%dma_wait3A_66, %dma_wait3A_67] : memref<4096x128xf32, #tpu.memory_space<hbm>> -> memref<4096x128xf32, #tpu.memory_space<hbm>>
    tpu.wait_indirect_dma semaphore(%arg10 : memref<!tpu.dma_semaphore, #tpu.memory_space<semaphore_mem>>) src(%dma_wait3A_68 : memref<4096x128xf32, #tpu.memory_space<hbm>>) dst(%dma_wait3A_62 : memref<128x128xf32, #tpu.memory_space<vmem>>)
    %add3A_69 = arith.constant 128 : i32
    %add3A_70 = arith.addi %mul3A_2, %add3A_69 : i32
    %run_scoped3A_71 = arith.constant 1 : i32
    "tpu.region"() ({
      %run_scoped3A_141 = tpu.sem_alloc : memref<!tpu.dma_semaphore, #tpu.memory_space<semaphore_mem>>
      %dma_start3A_142 = arith.constant 0 : i32
      %dma_start3A_143 = arith.constant 0 : i32
      %dma_start3A_144 = tpu.memref_slice %arg7[%run_scoped3A_71, %dma_start3A_142, %dma_start3A_143] : memref<2x128x128xf32, #tpu.memory_space<vmem>> -> memref<1x128x128xf32, #tpu.memory_space<vmem>>
      %dma_start3A_145 = tpu.memref_squeeze %dma_start3A_144 : memref<1x128x128xf32, #tpu.memory_space<vmem>> -> memref<128x128xf32, #tpu.memory_space<vmem>>
      %dma_start3A_146 = arith.constant 0 : i32
      %dma_start3A_147 = tpu.memref_slice %arg4[%add3A_70, %dma_start3A_146] : memref<16384x128xf32, #tpu.memory_space<hbm>> -> memref<128x128xf32, #tpu.memory_space<hbm>>
      %dma_start3A_148 = arith.constant 0 : i32
      %dma_start3A_149 = tpu.memref_slice %arg4[%add3A_70, %dma_start3A_148] : memref<16384x128xf32, #tpu.memory_space<hbm>> -> memref<128x128xf32, #tpu.memory_space<hbm>>
      %dma_start3A_150 = arith.constant 0 : i32
      %dma_start3A_151 = arith.constant 0 : i32
      %dma_start3A_152 = tpu.memref_slice %arg7[%run_scoped3A_71, %dma_start3A_150, %dma_start3A_151] : memref<2x128x128xf32, #tpu.memory_space<vmem>> -> memref<1x128x128xf32, #tpu.memory_space<vmem>>
      %dma_start3A_153 = tpu.memref_squeeze %dma_start3A_152 : memref<1x128x128xf32, #tpu.memory_space<vmem>> -> memref<128x128xf32, #tpu.memory_space<vmem>>
      tpu.enqueue_dma source(%dma_start3A_153 : memref<128x128xf32, #tpu.memory_space<vmem>>) target(%dma_start3A_149 : memref<128x128xf32, #tpu.memory_space<hbm>>) target_semaphore(%run_scoped3A_141 : memref<!tpu.dma_semaphore, #tpu.memory_space<semaphore_mem>>)
      %dma_wait3A_154 = arith.constant 0 : i32
      %dma_wait3A_155 = arith.constant 0 : i32
      %dma_wait3A_156 = tpu.memref_slice %arg7[%run_scoped3A_71, %dma_wait3A_154, %dma_wait3A_155] : memref<2x128x128xf32, #tpu.memory_space<vmem>> -> memref<1x128x128xf32, #tpu.memory_space<vmem>>
      %dma_wait3A_157 = tpu.memref_squeeze %dma_wait3A_156 : memref<1x128x128xf32, #tpu.memory_space<vmem>> -> memref<128x128xf32, #tpu.memory_space<vmem>>
      %dma_wait3A_158 = arith.constant 0 : i32
      %dma_wait3A_159 = tpu.memref_slice %arg4[%add3A_70, %dma_wait3A_158] : memref<16384x128xf32, #tpu.memory_space<hbm>> -> memref<128x128xf32, #tpu.memory_space<hbm>>
      %dma_wait3A_160 = arith.constant 0 : i32
      %dma_wait3A_161 = tpu.memref_slice %arg4[%add3A_70, %dma_wait3A_160] : memref<16384x128xf32, #tpu.memory_space<hbm>> -> memref<128x128xf32, #tpu.memory_space<hbm>>
      %dma_wait3A_162 = arith.constant 0 : i32
      %dma_wait3A_163 = arith.constant 0 : i32
      %dma_wait3A_164 = tpu.memref_slice %arg7[%run_scoped3A_71, %dma_wait3A_162, %dma_wait3A_163] : memref<2x128x128xf32, #tpu.memory_space<vmem>> -> memref<1x128x128xf32, #tpu.memory_space<vmem>>
      %dma_wait3A_165 = tpu.memref_squeeze %dma_wait3A_164 : memref<1x128x128xf32, #tpu.memory_space<vmem>> -> memref<128x128xf32, #tpu.memory_space<vmem>>
      tpu.wait_dma2 semaphore(%run_scoped3A_141 : memref<!tpu.dma_semaphore, #tpu.memory_space<semaphore_mem>>) src(%dma_wait3A_165 : memref<128x128xf32, #tpu.memory_space<vmem>>) dst(%dma_wait3A_161 : memref<128x128xf32, #tpu.memory_space<hbm>>)
      tpu.yield
    }) : () -> ()
    %dma_start3A_72 = arith.constant 3 : i32
    %dma_start3A_73 = arith.constant 1 : i32
    %dma_start3A_74 = arith.constant 0 : i32
    %dma_start3A_75 = arith.constant 0 : i32
    %dma_start3A_76 = tpu.memref_slice %arg7[%dma_start3A_73, %dma_start3A_74, %dma_start3A_75] : memref<2x128x128xf32, #tpu.memory_space<vmem>> -> memref<1x128x128xf32, #tpu.memory_space<vmem>>
    %dma_start3A_77 = tpu.memref_squeeze %dma_start3A_76 : memref<1x128x128xf32, #tpu.memory_space<vmem>> -> memref<128x128xf32, #tpu.memory_space<vmem>>
    %dma_start3A_78 = arith.constant 0 : i32
    %dma_start3A_79 = tpu.memref_slice %arg6[%dma_start3A_72, %dma_start3A_78] : memref<4x128xi32, #tpu.memory_space<vmem>> -> memref<1x128xi32, #tpu.memory_space<vmem>>
    %dma_start3A_80 = tpu.memref_squeeze %dma_start3A_79 : memref<1x128xi32, #tpu.memory_space<vmem>> -> memref<128xi32, #tpu.memory_space<vmem>>
    %dma_start3A_81 = arith.constant 0 : i32
    %dma_start3A_82 = arith.constant 0 : i32
    %dma_start3A_83 = tpu.memref_slice %arg2[%dma_start3A_81, %dma_start3A_82] : memref<4096x128xf32, #tpu.memory_space<hbm>> -> memref<4096x128xf32, #tpu.memory_space<hbm>>
    tpu.enqueue_indirect_dma source(%dma_start3A_83 : memref<4096x128xf32, #tpu.memory_space<hbm>>) target(%dma_start3A_77 : memref<128x128xf32, #tpu.memory_space<vmem>>) offsets(%dma_start3A_80 : memref<128xi32, #tpu.memory_space<vmem>>) semaphore(%arg10 : memref<!tpu.dma_semaphore, #tpu.memory_space<semaphore_mem>>)
    %dma_wait3A_84 = arith.constant 2 : i32
    %dma_wait3A_85 = arith.constant 0 : i32
    %dma_wait3A_86 = arith.constant 0 : i32
    %dma_wait3A_87 = arith.constant 0 : i32
    %dma_wait3A_88 = tpu.memref_slice %arg7[%dma_wait3A_85, %dma_wait3A_86, %dma_wait3A_87] : memref<2x128x128xf32, #tpu.memory_space<vmem>> -> memref<1x128x128xf32, #tpu.memory_space<vmem>>
    %dma_wait3A_89 = tpu.memref_squeeze %dma_wait3A_88 : memref<1x128x128xf32, #tpu.memory_space<vmem>> -> memref<128x128xf32, #tpu.memory_space<vmem>>
    %dma_wait3A_90 = arith.constant 0 : i32
    %dma_wait3A_91 = tpu.memref_slice %arg6[%dma_wait3A_84, %dma_wait3A_90] : memref<4x128xi32, #tpu.memory_space<vmem>> -> memref<1x128xi32, #tpu.memory_space<vmem>>
    %dma_wait3A_92 = tpu.memref_squeeze %dma_wait3A_91 : memref<1x128xi32, #tpu.memory_space<vmem>> -> memref<128xi32, #tpu.memory_space<vmem>>
    %dma_wait3A_93 = arith.constant 0 : i32
    %dma_wait3A_94 = arith.constant 0 : i32
    %dma_wait3A_95 = tpu.memref_slice %arg2[%dma_wait3A_93, %dma_wait3A_94] : memref<4096x128xf32, #tpu.memory_space<hbm>> -> memref<4096x128xf32, #tpu.memory_space<hbm>>
    tpu.wait_indirect_dma semaphore(%arg9 : memref<!tpu.dma_semaphore, #tpu.memory_space<semaphore_mem>>) src(%dma_wait3A_95 : memref<4096x128xf32, #tpu.memory_space<hbm>>) dst(%dma_wait3A_89 : memref<128x128xf32, #tpu.memory_space<vmem>>)
    %add3A_96 = arith.constant 256 : i32
    %add3A_97 = arith.addi %mul3A_2, %add3A_96 : i32
    %run_scoped3A_98 = arith.constant 0 : i32
    "tpu.region"() ({
      %run_scoped3A_141 = tpu.sem_alloc : memref<!tpu.dma_semaphore, #tpu.memory_space<semaphore_mem>>
      %dma_start3A_142 = arith.constant 0 : i32
      %dma_start3A_143 = arith.constant 0 : i32
      %dma_start3A_144 = tpu.memref_slice %arg7[%run_scoped3A_98, %dma_start3A_142, %dma_start3A_143] : memref<2x128x128xf32, #tpu.memory_space<vmem>> -> memref<1x128x128xf32, #tpu.memory_space<vmem>>
      %dma_start3A_145 = tpu.memref_squeeze %dma_start3A_144 : memref<1x128x128xf32, #tpu.memory_space<vmem>> -> memref<128x128xf32, #tpu.memory_space<vmem>>
      %dma_start3A_146 = arith.constant 0 : i32
      %dma_start3A_147 = tpu.memref_slice %arg4[%add3A_97, %dma_start3A_146] : memref<16384x128xf32, #tpu.memory_space<hbm>> -> memref<128x128xf32, #tpu.memory_space<hbm>>
      %dma_start3A_148 = arith.constant 0 : i32
      %dma_start3A_149 = tpu.memref_slice %arg4[%add3A_97, %dma_start3A_148] : memref<16384x128xf32, #tpu.memory_space<hbm>> -> memref<128x128xf32, #tpu.memory_space<hbm>>
      %dma_start3A_150 = arith.constant 0 : i32
      %dma_start3A_151 = arith.constant 0 : i32
      %dma_start3A_152 = tpu.memref_slice %arg7[%run_scoped3A_98, %dma_start3A_150, %dma_start3A_151] : memref<2x128x128xf32, #tpu.memory_space<vmem>> -> memref<1x128x128xf32, #tpu.memory_space<vmem>>
      %dma_start3A_153 = tpu.memref_squeeze %dma_start3A_152 : memref<1x128x128xf32, #tpu.memory_space<vmem>> -> memref<128x128xf32, #tpu.memory_space<vmem>>
      tpu.enqueue_dma source(%dma_start3A_153 : memref<128x128xf32, #tpu.memory_space<vmem>>) target(%dma_start3A_149 : memref<128x128xf32, #tpu.memory_space<hbm>>) target_semaphore(%run_scoped3A_141 : memref<!tpu.dma_semaphore, #tpu.memory_space<semaphore_mem>>)
      %dma_wait3A_154 = arith.constant 0 : i32
      %dma_wait3A_155 = arith.constant 0 : i32
      %dma_wait3A_156 = tpu.memref_slice %arg7[%run_scoped3A_98, %dma_wait3A_154, %dma_wait3A_155] : memref<2x128x128xf32, #tpu.memory_space<vmem>> -> memref<1x128x128xf32, #tpu.memory_space<vmem>>
      %dma_wait3A_157 = tpu.memref_squeeze %dma_wait3A_156 : memref<1x128x128xf32, #tpu.memory_space<vmem>> -> memref<128x128xf32, #tpu.memory_space<vmem>>
      %dma_wait3A_158 = arith.constant 0 : i32
      %dma_wait3A_159 = tpu.memref_slice %arg4[%add3A_97, %dma_wait3A_158] : memref<16384x128xf32, #tpu.memory_space<hbm>> -> memref<128x128xf32, #tpu.memory_space<hbm>>
      %dma_wait3A_160 = arith.constant 0 : i32
      %dma_wait3A_161 = tpu.memref_slice %arg4[%add3A_97, %dma_wait3A_160] : memref<16384x128xf32, #tpu.memory_space<hbm>> -> memref<128x128xf32, #tpu.memory_space<hbm>>
      %dma_wait3A_162 = arith.constant 0 : i32
      %dma_wait3A_163 = arith.constant 0 : i32
      %dma_wait3A_164 = tpu.memref_slice %arg7[%run_scoped3A_98, %dma_wait3A_162, %dma_wait3A_163] : memref<2x128x128xf32, #tpu.memory_space<vmem>> -> memref<1x128x128xf32, #tpu.memory_space<vmem>>
      %dma_wait3A_165 = tpu.memref_squeeze %dma_wait3A_164 : memref<1x128x128xf32, #tpu.memory_space<vmem>> -> memref<128x128xf32, #tpu.memory_space<vmem>>
      tpu.wait_dma2 semaphore(%run_scoped3A_141 : memref<!tpu.dma_semaphore, #tpu.memory_space<semaphore_mem>>) src(%dma_wait3A_165 : memref<128x128xf32, #tpu.memory_space<vmem>>) dst(%dma_wait3A_161 : memref<128x128xf32, #tpu.memory_space<hbm>>)
      tpu.yield
    }) : () -> ()
    %dma_wait3A_99 = arith.constant 3 : i32
    %dma_wait3A_100 = arith.constant 1 : i32
    %dma_wait3A_101 = arith.constant 0 : i32
    %dma_wait3A_102 = arith.constant 0 : i32
    %dma_wait3A_103 = tpu.memref_slice %arg7[%dma_wait3A_100, %dma_wait3A_101, %dma_wait3A_102] : memref<2x128x128xf32, #tpu.memory_space<vmem>> -> memref<1x128x128xf32, #tpu.memory_space<vmem>>
    %dma_wait3A_104 = tpu.memref_squeeze %dma_wait3A_103 : memref<1x128x128xf32, #tpu.memory_space<vmem>> -> memref<128x128xf32, #tpu.memory_space<vmem>>
    %dma_wait3A_105 = arith.constant 0 : i32
    %dma_wait3A_106 = tpu.memref_slice %arg6[%dma_wait3A_99, %dma_wait3A_105] : memref<4x128xi32, #tpu.memory_space<vmem>> -> memref<1x128xi32, #tpu.memory_space<vmem>>
    %dma_wait3A_107 = tpu.memref_squeeze %dma_wait3A_106 : memref<1x128xi32, #tpu.memory_space<vmem>> -> memref<128xi32, #tpu.memory_space<vmem>>
    %dma_wait3A_108 = arith.constant 0 : i32
    %dma_wait3A_109 = arith.constant 0 : i32
    %dma_wait3A_110 = tpu.memref_slice %arg2[%dma_wait3A_108, %dma_wait3A_109] : memref<4096x128xf32, #tpu.memory_space<hbm>> -> memref<4096x128xf32, #tpu.memory_space<hbm>>
    tpu.wait_indirect_dma semaphore(%arg10 : memref<!tpu.dma_semaphore, #tpu.memory_space<semaphore_mem>>) src(%dma_wait3A_110 : memref<4096x128xf32, #tpu.memory_space<hbm>>) dst(%dma_wait3A_104 : memref<128x128xf32, #tpu.memory_space<vmem>>)
    %add3A_111 = arith.constant 384 : i32
    %add3A_112 = arith.addi %mul3A_2, %add3A_111 : i32
    %run_scoped3A_113 = arith.constant 1 : i32
    "tpu.region"() ({
      %run_scoped3A_141 = tpu.sem_alloc : memref<!tpu.dma_semaphore, #tpu.memory_space<semaphore_mem>>
      %dma_start3A_142 = arith.constant 0 : i32
      %dma_start3A_143 = arith.constant 0 : i32
      %dma_start3A_144 = tpu.memref_slice %arg7[%run_scoped3A_113, %dma_start3A_142, %dma_start3A_143] : memref<2x128x128xf32, #tpu.memory_space<vmem>> -> memref<1x128x128xf32, #tpu.memory_space<vmem>>
      %dma_start3A_145 = tpu.memref_squeeze %dma_start3A_144 : memref<1x128x128xf32, #tpu.memory_space<vmem>> -> memref<128x128xf32, #tpu.memory_space<vmem>>
      %dma_start3A_146 = arith.constant 0 : i32
      %dma_start3A_147 = tpu.memref_slice %arg4[%add3A_112, %dma_start3A_146] : memref<16384x128xf32, #tpu.memory_space<hbm>> -> memref<128x128xf32, #tpu.memory_space<hbm>>
      %dma_start3A_148 = arith.constant 0 : i32
      %dma_start3A_149 = tpu.memref_slice %arg4[%add3A_112, %dma_start3A_148] : memref<16384x128xf32, #tpu.memory_space<hbm>> -> memref<128x128xf32, #tpu.memory_space<hbm>>
      %dma_start3A_150 = arith.constant 0 : i32
      %dma_start3A_151 = arith.constant 0 : i32
      %dma_start3A_152 = tpu.memref_slice %arg7[%run_scoped3A_113, %dma_start3A_150, %dma_start3A_151] : memref<2x128x128xf32, #tpu.memory_space<vmem>> -> memref<1x128x128xf32, #tpu.memory_space<vmem>>
      %dma_start3A_153 = tpu.memref_squeeze %dma_start3A_152 : memref<1x128x128xf32, #tpu.memory_space<vmem>> -> memref<128x128xf32, #tpu.memory_space<vmem>>
      tpu.enqueue_dma source(%dma_start3A_153 : memref<128x128xf32, #tpu.memory_space<vmem>>) target(%dma_start3A_149 : memref<128x128xf32, #tpu.memory_space<hbm>>) target_semaphore(%run_scoped3A_141 : memref<!tpu.dma_semaphore, #tpu.memory_space<semaphore_mem>>)
      %dma_wait3A_154 = arith.constant 0 : i32
      %dma_wait3A_155 = arith.constant 0 : i32
      %dma_wait3A_156 = tpu.memref_slice %arg7[%run_scoped3A_113, %dma_wait3A_154, %dma_wait3A_155] : memref<2x128x128xf32, #tpu.memory_space<vmem>> -> memref<1x128x128xf32, #tpu.memory_space<vmem>>
      %dma_wait3A_157 = tpu.memref_squeeze %dma_wait3A_156 : memref<1x128x128xf32, #tpu.memory_space<vmem>> -> memref<128x128xf32, #tpu.memory_space<vmem>>
      %dma_wait3A_158 = arith.constant 0 : i32
      %dma_wait3A_159 = tpu.memref_slice %arg4[%add3A_112, %dma_wait3A_158] : memref<16384x128xf32, #tpu.memory_space<hbm>> -> memref<128x128xf32, #tpu.memory_space<hbm>>
      %dma_wait3A_160 = arith.constant 0 : i32
      %dma_wait3A_161 = tpu.memref_slice %arg4[%add3A_112, %dma_wait3A_160] : memref<16384x128xf32, #tpu.memory_space<hbm>> -> memref<128x128xf32, #tpu.memory_space<hbm>>
      %dma_wait3A_162 = arith.constant 0 : i32
      %dma_wait3A_163 = arith.constant 0 : i32
      %dma_wait3A_164 = tpu.memref_slice %arg7[%run_scoped3A_113, %dma_wait3A_162, %dma_wait3A_163] : memref<2x128x128xf32, #tpu.memory_space<vmem>> -> memref<1x128x128xf32, #tpu.memory_space<vmem>>
      %dma_wait3A_165 = tpu.memref_squeeze %dma_wait3A_164 : memref<1x128x128xf32, #tpu.memory_space<vmem>> -> memref<128x128xf32, #tpu.memory_space<vmem>>
      tpu.wait_dma2 semaphore(%run_scoped3A_141 : memref<!tpu.dma_semaphore, #tpu.memory_space<semaphore_mem>>) src(%dma_wait3A_165 : memref<128x128xf32, #tpu.memory_space<vmem>>) dst(%dma_wait3A_161 : memref<128x128xf32, #tpu.memory_space<hbm>>)
      tpu.yield
    }) : () -> ()
    %iota3A = tpu.iota {dimensions = array<i32: 0>} : vector<16xi32>
    %broadcast_in_dim3A = arith.constant 1.000000e+00 : f32
    %broadcast_in_dim3A_114 = vector.broadcast %broadcast_in_dim3A : f32 to vector<16xf32>
    %scan3A_115 = arith.constant 0 : i32
    %scan3A_116 = arith.constant 8 : i32
    %scan3A_117 = arith.addi %scan3A_115, %scan3A_116 : i32
    %scan3A_118 = arith.constant 1 : i32
    scf.for %scan3A_141 = %scan3A_115 to %scan3A_117 step %scan3A_118  : i32 {
      %mul3A_142 = arith.constant 16 : i32
      %mul3A_143 = arith.muli %scan3A_141, %mul3A_142 : i32
      %add3A_144 = arith.constant 0 : i32
      %add3A_145 = arith.addi %add3A_144, %mul3A_143 : i32
      %get3A = arith.constant 0 : i32
      %get3A_146 = arith.index_cast %get3A : i32 to index
      %get3A_147 = arith.index_cast %add3A_145 : i32 to index
      %get3A_148 = tpu.vector_load %arg6[%get3A_146, %get3A_147] {strides = array<i32>} : memref<4x128xi32, #tpu.memory_space<vmem>>, vector<16xi32>,
      tpu.vector_store_idx %arg8[%iota3A, %get3A_148], %broadcast_in_dim3A_114 {add = true} : memref<16x4096xf32, #tpu.memory_space<vmem>>[vector<16xi32>, vector<16xi32>], vector<16xf32>,
    }
    %scan3A_119 = arith.constant 8 : i32
    %scan3A_120 = arith.constant 0 : i32
    %scan3A_121 = arith.constant 8 : i32
    %scan3A_122 = arith.addi %scan3A_120, %scan3A_121 : i32
    %scan3A_123 = arith.constant 1 : i32
    scf.for %scan3A_141 = %scan3A_120 to %scan3A_122 step %scan3A_123  : i32 {
      %mul3A_142 = arith.constant 16 : i32
      %mul3A_143 = arith.muli %scan3A_141, %mul3A_142 : i32
      %add3A_144 = arith.constant 0 : i32
      %add3A_145 = arith.addi %add3A_144, %mul3A_143 : i32
      %get3A = arith.constant 1 : i32
      %get3A_146 = arith.index_cast %get3A : i32 to index
      %get3A_147 = arith.index_cast %add3A_145 : i32 to index
      %get3A_148 = tpu.vector_load %arg6[%get3A_146, %get3A_147] {strides = array<i32>} : memref<4x128xi32, #tpu.memory_space<vmem>>, vector<16xi32>,
      tpu.vector_store_idx %arg8[%iota3A, %get3A_148], %broadcast_in_dim3A_114 {add = true} : memref<16x4096xf32, #tpu.memory_space<vmem>>[vector<16xi32>, vector<16xi32>], vector<16xf32>,
    }
    %scan3A_124 = arith.constant 8 : i32
    %scan3A_125 = arith.constant 0 : i32
    %scan3A_126 = arith.constant 8 : i32
    %scan3A_127 = arith.addi %scan3A_125, %scan3A_126 : i32
    %scan3A_128 = arith.constant 1 : i32
    scf.for %scan3A_141 = %scan3A_125 to %scan3A_127 step %scan3A_128  : i32 {
      %mul3A_142 = arith.constant 16 : i32
      %mul3A_143 = arith.muli %scan3A_141, %mul3A_142 : i32
      %add3A_144 = arith.constant 0 : i32
      %add3A_145 = arith.addi %add3A_144, %mul3A_143 : i32
      %get3A = arith.constant 2 : i32
      %get3A_146 = arith.index_cast %get3A : i32 to index
      %get3A_147 = arith.index_cast %add3A_145 : i32 to index
      %get3A_148 = tpu.vector_load %arg6[%get3A_146, %get3A_147] {strides = array<i32>} : memref<4x128xi32, #tpu.memory_space<vmem>>, vector<16xi32>,
      tpu.vector_store_idx %arg8[%iota3A, %get3A_148], %broadcast_in_dim3A_114 {add = true} : memref<16x4096xf32, #tpu.memory_space<vmem>>[vector<16xi32>, vector<16xi32>], vector<16xf32>,
    }
    %scan3A_129 = arith.constant 8 : i32
    %scan3A_130 = arith.constant 0 : i32
    %scan3A_131 = arith.constant 8 : i32
    %scan3A_132 = arith.addi %scan3A_130, %scan3A_131 : i32
    %scan3A_133 = arith.constant 1 : i32
    scf.for %scan3A_141 = %scan3A_130 to %scan3A_132 step %scan3A_133  : i32 {
      %mul3A_142 = arith.constant 16 : i32
      %mul3A_143 = arith.muli %scan3A_141, %mul3A_142 : i32
      %add3A_144 = arith.constant 0 : i32
      %add3A_145 = arith.addi %add3A_144, %mul3A_143 : i32
      %get3A = arith.constant 3 : i32
      %get3A_146 = arith.index_cast %get3A : i32 to index
      %get3A_147 = arith.index_cast %add3A_145 : i32 to index
      %get3A_148 = tpu.vector_load %arg6[%get3A_146, %get3A_147] {strides = array<i32>} : memref<4x128xi32, #tpu.memory_space<vmem>>, vector<16xi32>,
      tpu.vector_store_idx %arg8[%iota3A, %get3A_148], %broadcast_in_dim3A_114 {add = true} : memref<16x4096xf32, #tpu.memory_space<vmem>>[vector<16xi32>, vector<16xi32>], vector<16xf32>,
    }
    %scan3A_134 = arith.constant 8 : i32
    %scan3A_135 = arith.constant 0 : i32
    %scan3A_136 = arith.constant 64 : i32
    %scan3A_137 = arith.addi %scan3A_135, %scan3A_136 : i32
    %scan3A_138 = arith.constant 1 : i32
    scf.for %scan3A_141 = %scan3A_135 to %scan3A_137 step %scan3A_138  : i32 {
      %mul3A_142 = arith.constant 64 : i32
      %mul3A_143 = arith.muli %scan3A_141, %mul3A_142 : i32
      %add3A_144 = arith.constant 0 : i32
      %add3A_145 = arith.addi %add3A_144, %mul3A_143 : i32
      %add3A_146 = arith.constant 0 : i32
      %add3A_147 = arith.addi %add3A_145, %add3A_146 : i32
      %get3A = arith.constant 0 : i32
      %get3A_148 = arith.index_cast %get3A : i32 to index
      %get3A_149 = arith.index_cast %add3A_147 : i32 to index
      %get3A_150 = tpu.vector_load %arg8[%get3A_148, %get3A_149] {strides = array<i32>} : memref<16x4096xf32, #tpu.memory_space<vmem>>, vector<16xf32>,
      %add3A_151 = arith.constant 0 : i32
      %add3A_152 = arith.addi %add3A_145, %add3A_151 : i32
      %get3A_153 = arith.constant 1 : i32
      %get3A_154 = arith.index_cast %get3A_153 : i32 to index
      %get3A_155 = arith.index_cast %add3A_152 : i32 to index
      %get3A_156 = tpu.vector_load %arg8[%get3A_154, %get3A_155] {strides = array<i32>} : memref<16x4096xf32, #tpu.memory_space<vmem>>, vector<16xf32>,
      %add3A_157 = arith.addf %get3A_150, %get3A_156 : vector<16xf32>
      %add3A_158 = arith.constant 0 : i32
      %add3A_159 = arith.addi %add3A_145, %add3A_158 : i32
      %get3A_160 = arith.constant 2 : i32
      %get3A_161 = arith.index_cast %get3A_160 : i32 to index
      %get3A_162 = arith.index_cast %add3A_159 : i32 to index
      %get3A_163 = tpu.vector_load %arg8[%get3A_161, %get3A_162] {strides = array<i32>} : memref<16x4096xf32, #tpu.memory_space<vmem>>, vector<16xf32>,
      %add3A_164 = arith.addf %add3A_157, %get3A_163 : vector<16xf32>
      %add3A_165 = arith.constant 0 : i32
      %add3A_166 = arith.addi %add3A_145, %add3A_165 : i32
      %get3A_167 = arith.constant 3 : i32
      %get3A_168 = arith.index_cast %get3A_167 : i32 to index
      %get3A_169 = arith.index_cast %add3A_166 : i32 to index
      %get3A_170 = tpu.vector_load %arg8[%get3A_168, %get3A_169] {strides = array<i32>} : memref<16x4096xf32, #tpu.memory_space<vmem>>, vector<16xf32>,
      %add3A_171 = arith.addf %add3A_164, %get3A_170 : vector<16xf32>
      %add3A_172 = arith.constant 0 : i32
      %add3A_173 = arith.addi %add3A_145, %add3A_172 : i32
      %get3A_174 = arith.constant 4 : i32
      %get3A_175 = arith.index_cast %get3A_174 : i32 to index
      %get3A_176 = arith.index_cast %add3A_173 : i32 to index
      %get3A_177 = tpu.vector_load %arg8[%get3A_175, %get3A_176] {strides = array<i32>} : memref<16x4096xf32, #tpu.memory_space<vmem>>, vector<16xf32>,
      %add3A_178 = arith.addf %add3A_171, %get3A_177 : vector<16xf32>
      %add3A_179 = arith.constant 0 : i32
      %add3A_180 = arith.addi %add3A_145, %add3A_179 : i32
      %get3A_181 = arith.constant 5 : i32
      %get3A_182 = arith.index_cast %get3A_181 : i32 to index
      %get3A_183 = arith.index_cast %add3A_180 : i32 to index
      %get3A_184 = tpu.vector_load %arg8[%get3A_182, %get3A_183] {strides = array<i32>} : memref<16x4096xf32, #tpu.memory_space<vmem>>, vector<16xf32>,
      %add3A_185 = arith.addf %add3A_178, %get3A_184 : vector<16xf32>
      %add3A_186 = arith.constant 0 : i32
      %add3A_187 = arith.addi %add3A_145, %add3A_186 : i32
      %get3A_188 = arith.constant 6 : i32
      %get3A_189 = arith.index_cast %get3A_188 : i32 to index
      %get3A_190 = arith.index_cast %add3A_187 : i32 to index
      %get3A_191 = tpu.vector_load %arg8[%get3A_189, %get3A_190] {strides = array<i32>} : memref<16x4096xf32, #tpu.memory_space<vmem>>, vector<16xf32>,
      %add3A_192 = arith.addf %add3A_185, %get3A_191 : vector<16xf32>
      %add3A_193 = arith.constant 0 : i32
      %add3A_194 = arith.addi %add3A_145, %add3A_193 : i32
      %get3A_195 = arith.constant 7 : i32
      %get3A_196 = arith.index_cast %get3A_195 : i32 to index
      %get3A_197 = arith.index_cast %add3A_194 : i32 to index
      %get3A_198 = tpu.vector_load %arg8[%get3A_196, %get3A_197] {strides = array<i32>} : memref<16x4096xf32, #tpu.memory_space<vmem>>, vector<16xf32>,
      %add3A_199 = arith.addf %add3A_192, %get3A_198 : vector<16xf32>
      %add3A_200 = arith.constant 0 : i32
      %add3A_201 = arith.addi %add3A_145, %add3A_200 : i32
      %get3A_202 = arith.constant 8 : i32
      %get3A_203 = arith.index_cast %get3A_202 : i32 to index
      %get3A_204 = arith.index_cast %add3A_201 : i32 to index
      %get3A_205 = tpu.vector_load %arg8[%get3A_203, %get3A_204] {strides = array<i32>} : memref<16x4096xf32, #tpu.memory_space<vmem>>, vector<16xf32>,
      %add3A_206 = arith.addf %add3A_199, %get3A_205 : vector<16xf32>
      %add3A_207 = arith.constant 0 : i32
      %add3A_208 = arith.addi %add3A_145, %add3A_207 : i32
      %get3A_209 = arith.constant 9 : i32
      %get3A_210 = arith.index_cast %get3A_209 : i32 to index
      %get3A_211 = arith.index_cast %add3A_208 : i32 to index
      %get3A_212 = tpu.vector_load %arg8[%get3A_210, %get3A_211] {strides = array<i32>} : memref<16x4096xf32, #tpu.memory_space<vmem>>, vector<16xf32>,
      %add3A_213 = arith.addf %add3A_206, %get3A_212 : vector<16xf32>
      %add3A_214 = arith.constant 0 : i32
      %add3A_215 = arith.addi %add3A_145, %add3A_214 : i32
      %get3A_216 = arith.constant 10 : i32
      %get3A_217 = arith.index_cast %get3A_216 : i32 to index
      %get3A_218 = arith.index_cast %add3A_215 : i32 to index
      %get3A_219 = tpu.vector_load %arg8[%get3A_217, %get3A_218] {strides = array<i32>} : memref<16x4096xf32, #tpu.memory_space<vmem>>, vector<16xf32>,
      %add3A_220 = arith.addf %add3A_213, %get3A_219 : vector<16xf32>
      %add3A_221 = arith.constant 0 : i32
      %add3A_222 = arith.addi %add3A_145, %add3A_221 : i32
      %get3A_223 = arith.constant 11 : i32
      %get3A_224 = arith.index_cast %get3A_223 : i32 to index
      %get3A_225 = arith.index_cast %add3A_222 : i32 to index
      %get3A_226 = tpu.vector_load %arg8[%get3A_224, %get3A_225] {strides = array<i32>} : memref<16x4096xf32, #tpu.memory_space<vmem>>, vector<16xf32>,
      %add3A_227 = arith.addf %add3A_220, %get3A_226 : vector<16xf32>
      %add3A_228 = arith.constant 0 : i32
      %add3A_229 = arith.addi %add3A_145, %add3A_228 : i32
      %get3A_230 = arith.constant 12 : i32
      %get3A_231 = arith.index_cast %get3A_230 : i32 to index
      %get3A_232 = arith.index_cast %add3A_229 : i32 to index
      %get3A_233 = tpu.vector_load %arg8[%get3A_231, %get3A_232] {strides = array<i32>} : memref<16x4096xf32, #tpu.memory_space<vmem>>, vector<16xf32>,
      %add3A_234 = arith.addf %add3A_227, %get3A_233 : vector<16xf32>
      %add3A_235 = arith.constant 0 : i32
      %add3A_236 = arith.addi %add3A_145, %add3A_235 : i32
      %get3A_237 = arith.constant 13 : i32
      %get3A_238 = arith.index_cast %get3A_237 : i32 to index
      %get3A_239 = arith.index_cast %add3A_236 : i32 to index
      %get3A_240 = tpu.vector_load %arg8[%get3A_238, %get3A_239] {strides = array<i32>} : memref<16x4096xf32, #tpu.memory_space<vmem>>, vector<16xf32>,
      %add3A_241 = arith.addf %add3A_234, %get3A_240 : vector<16xf32>
      %add3A_242 = arith.constant 0 : i32
      %add3A_243 = arith.addi %add3A_145, %add3A_242 : i32
      %get3A_244 = arith.constant 14 : i32
      %get3A_245 = arith.index_cast %get3A_244 : i32 to index
      %get3A_246 = arith.index_cast %add3A_243 : i32 to index
      %get3A_247 = tpu.vector_load %arg8[%get3A_245, %get3A_246] {strides = array<i32>} : memref<16x4096xf32, #tpu.memory_space<vmem>>, vector<16xf32>,
      %add3A_248 = arith.addf %add3A_241, %get3A_247 : vector<16xf32>
      %add3A_249 = arith.constant 0 : i32
      %add3A_250 = arith.addi %add3A_145, %add3A_249 : i32
      %get3A_251 = arith.constant 15 : i32
      %get3A_252 = arith.index_cast %get3A_251 : i32 to index
      %get3A_253 = arith.index_cast %add3A_250 : i32 to index
      %get3A_254 = tpu.vector_load %arg8[%get3A_252, %get3A_253] {strides = array<i32>} : memref<16x4096xf32, #tpu.memory_space<vmem>>, vector<16xf32>,
      %add3A_255 = arith.addf %add3A_248, %get3A_254 : vector<16xf32>
      %add3A_256 = arith.constant 0 : i32
      %add3A_257 = arith.addi %add3A_145, %add3A_256 : i32
      %swap3A = arith.constant 0 : i32
      %swap3A_258 = arith.index_cast %swap3A : i32 to index
      %swap3A_259 = arith.index_cast %add3A_257 : i32 to index
      %swap3A_260 = tpu.vector_load %arg8[%swap3A_258, %swap3A_259] {strides = array<i32>} : memref<16x4096xf32, #tpu.memory_space<vmem>>, vector<16xf32>,
      tpu.vector_store %arg8[%swap3A_258, %swap3A_259], %add3A_255 {strides = array<i32>} : memref<16x4096xf32, #tpu.memory_space<vmem>>, vector<16xf32>,
      %add3A_261 = arith.constant 16 : i32
      %add3A_262 = arith.addi %add3A_145, %add3A_261 : i32
      %get3A_263 = arith.constant 0 : i32
      %get3A_264 = arith.index_cast %get3A_263 : i32 to index
      %get3A_265 = arith.index_cast %add3A_262 : i32 to index
      %get3A_266 = tpu.vector_load %arg8[%get3A_264, %get3A_265] {strides = array<i32>} : memref<16x4096xf32, #tpu.memory_space<vmem>>, vector<16xf32>,
      %add3A_267 = arith.constant 16 : i32
      %add3A_268 = arith.addi %add3A_145, %add3A_267 : i32
      %get3A_269 = arith.constant 1 : i32
      %get3A_270 = arith.index_cast %get3A_269 : i32 to index
      %get3A_271 = arith.index_cast %add3A_268 : i32 to index
      %get3A_272 = tpu.vector_load %arg8[%get3A_270, %get3A_271] {strides = array<i32>} : memref<16x4096xf32, #tpu.memory_space<vmem>>, vector<16xf32>,
      %add3A_273 = arith.addf %get3A_266, %get3A_272 : vector<16xf32>
      %add3A_274 = arith.constant 16 : i32
      %add3A_275 = arith.addi %add3A_145, %add3A_274 : i32
      %get3A_276 = arith.constant 2 : i32
      %get3A_277 = arith.index_cast %get3A_276 : i32 to index
      %get3A_278 = arith.index_cast %add3A_275 : i32 to index
      %get3A_279 = tpu.vector_load %arg8[%get3A_277, %get3A_278] {strides = array<i32>} : memref<16x4096xf32, #tpu.memory_space<vmem>>, vector<16xf32>,
      %add3A_280 = arith.addf %add3A_273, %get3A_279 : vector<16xf32>
      %add3A_281 = arith.constant 16 : i32
      %add3A_282 = arith.addi %add3A_145, %add3A_281 : i32
      %get3A_283 = arith.constant 3 : i32
      %get3A_284 = arith.index_cast %get3A_283 : i32 to index
      %get3A_285 = arith.index_cast %add3A_282 : i32 to index
      %get3A_286 = tpu.vector_load %arg8[%get3A_284, %get3A_285] {strides = array<i32>} : memref<16x4096xf32, #tpu.memory_space<vmem>>, vector<16xf32>,
      %add3A_287 = arith.addf %add3A_280, %get3A_286 : vector<16xf32>
      %add3A_288 = arith.constant 16 : i32
      %add3A_289 = arith.addi %add3A_145, %add3A_288 : i32
      %get3A_290 = arith.constant 4 : i32
      %get3A_291 = arith.index_cast %get3A_290 : i32 to index
      %get3A_292 = arith.index_cast %add3A_289 : i32 to index
      %get3A_293 = tpu.vector_load %arg8[%get3A_291, %get3A_292] {strides = array<i32>} : memref<16x4096xf32, #tpu.memory_space<vmem>>, vector<16xf32>,
      %add3A_294 = arith.addf %add3A_287, %get3A_293 : vector<16xf32>
      %add3A_295 = arith.constant 16 : i32
      %add3A_296 = arith.addi %add3A_145, %add3A_295 : i32
      %get3A_297 = arith.constant 5 : i32
      %get3A_298 = arith.index_cast %get3A_297 : i32 to index
      %get3A_299 = arith.index_cast %add3A_296 : i32 to index
      %get3A_300 = tpu.vector_load %arg8[%get3A_298, %get3A_299] {strides = array<i32>} : memref<16x4096xf32, #tpu.memory_space<vmem>>, vector<16xf32>,
      %add3A_301 = arith.addf %add3A_294, %get3A_300 : vector<16xf32>
      %add3A_302 = arith.constant 16 : i32
      %add3A_303 = arith.addi %add3A_145, %add3A_302 : i32
      %get3A_304 = arith.constant 6 : i32
      %get3A_305 = arith.index_cast %get3A_304 : i32 to index
      %get3A_306 = arith.index_cast %add3A_303 : i32 to index
      %get3A_307 = tpu.vector_load %arg8[%get3A_305, %get3A_306] {strides = array<i32>} : memref<16x4096xf32, #tpu.memory_space<vmem>>, vector<16xf32>,
      %add3A_308 = arith.addf %add3A_301, %get3A_307 : vector<16xf32>
      %add3A_309 = arith.constant 16 : i32
      %add3A_310 = arith.addi %add3A_145, %add3A_309 : i32
      %get3A_311 = arith.constant 7 : i32
      %get3A_312 = arith.index_cast %get3A_311 : i32 to index
      %get3A_313 = arith.index_cast %add3A_310 : i32 to index
      %get3A_314 = tpu.vector_load %arg8[%get3A_312, %get3A_313] {strides = array<i32>} : memref<16x4096xf32, #tpu.memory_space<vmem>>, vector<16xf32>,
      %add3A_315 = arith.addf %add3A_308, %get3A_314 : vector<16xf32>
      %add3A_316 = arith.constant 16 : i32
      %add3A_317 = arith.addi %add3A_145, %add3A_316 : i32
      %get3A_318 = arith.constant 8 : i32
      %get3A_319 = arith.index_cast %get3A_318 : i32 to index
      %get3A_320 = arith.index_cast %add3A_317 : i32 to index
      %get3A_321 = tpu.vector_load %arg8[%get3A_319, %get3A_320] {strides = array<i32>} : memref<16x4096xf32, #tpu.memory_space<vmem>>, vector<16xf32>,
      %add3A_322 = arith.addf %add3A_315, %get3A_321 : vector<16xf32>
      %add3A_323 = arith.constant 16 : i32
      %add3A_324 = arith.addi %add3A_145, %add3A_323 : i32
      %get3A_325 = arith.constant 9 : i32
      %get3A_326 = arith.index_cast %get3A_325 : i32 to index
      %get3A_327 = arith.index_cast %add3A_324 : i32 to index
      %get3A_328 = tpu.vector_load %arg8[%get3A_326, %get3A_327] {strides = array<i32>} : memref<16x4096xf32, #tpu.memory_space<vmem>>, vector<16xf32>,
      %add3A_329 = arith.addf %add3A_322, %get3A_328 : vector<16xf32>
      %add3A_330 = arith.constant 16 : i32
      %add3A_331 = arith.addi %add3A_145, %add3A_330 : i32
      %get3A_332 = arith.constant 10 : i32
      %get3A_333 = arith.index_cast %get3A_332 : i32 to index
      %get3A_334 = arith.index_cast %add3A_331 : i32 to index
      %get3A_335 = tpu.vector_load %arg8[%get3A_333, %get3A_334] {strides = array<i32>} : memref<16x4096xf32, #tpu.memory_space<vmem>>, vector<16xf32>,
      %add3A_336 = arith.addf %add3A_329, %get3A_335 : vector<16xf32>
      %add3A_337 = arith.constant 16 : i32
      %add3A_338 = arith.addi %add3A_145, %add3A_337 : i32
      %get3A_339 = arith.constant 11 : i32
      %get3A_340 = arith.index_cast %get3A_339 : i32 to index
      %get3A_341 = arith.index_cast %add3A_338 : i32 to index
      %get3A_342 = tpu.vector_load %arg8[%get3A_340, %get3A_341] {strides = array<i32>} : memref<16x4096xf32, #tpu.memory_space<vmem>>, vector<16xf32>,
      %add3A_343 = arith.addf %add3A_336, %get3A_342 : vector<16xf32>
      %add3A_344 = arith.constant 16 : i32
      %add3A_345 = arith.addi %add3A_145, %add3A_344 : i32
      %get3A_346 = arith.constant 12 : i32
      %get3A_347 = arith.index_cast %get3A_346 : i32 to index
      %get3A_348 = arith.index_cast %add3A_345 : i32 to index
      %get3A_349 = tpu.vector_load %arg8[%get3A_347, %get3A_348] {strides = array<i32>} : memref<16x4096xf32, #tpu.memory_space<vmem>>, vector<16xf32>,
      %add3A_350 = arith.addf %add3A_343, %get3A_349 : vector<16xf32>
      %add3A_351 = arith.constant 16 : i32
      %add3A_352 = arith.addi %add3A_145, %add3A_351 : i32
      %get3A_353 = arith.constant 13 : i32
      %get3A_354 = arith.index_cast %get3A_353 : i32 to index
      %get3A_355 = arith.index_cast %add3A_352 : i32 to index
      %get3A_356 = tpu.vector_load %arg8[%get3A_354, %get3A_355] {strides = array<i32>} : memref<16x4096xf32, #tpu.memory_space<vmem>>, vector<16xf32>,
      %add3A_357 = arith.addf %add3A_350, %get3A_356 : vector<16xf32>
      %add3A_358 = arith.constant 16 : i32
      %add3A_359 = arith.addi %add3A_145, %add3A_358 : i32
      %get3A_360 = arith.constant 14 : i32
      %get3A_361 = arith.index_cast %get3A_360 : i32 to index
      %get3A_362 = arith.index_cast %add3A_359 : i32 to index
      %get3A_363 = tpu.vector_load %arg8[%get3A_361, %get3A_362] {strides = array<i32>} : memref<16x4096xf32, #tpu.memory_space<vmem>>, vector<16xf32>,
      %add3A_364 = arith.addf %add3A_357, %get3A_363 : vector<16xf32>
      %add3A_365 = arith.constant 16 : i32
      %add3A_366 = arith.addi %add3A_145, %add3A_365 : i32
      %get3A_367 = arith.constant 15 : i32
      %get3A_368 = arith.index_cast %get3A_367 : i32 to index
      %get3A_369 = arith.index_cast %add3A_366 : i32 to index
      %get3A_370 = tpu.vector_load %arg8[%get3A_368, %get3A_369] {strides = array<i32>} : memref<16x4096xf32, #tpu.memory_space<vmem>>, vector<16xf32>,
      %add3A_371 = arith.addf %add3A_364, %get3A_370 : vector<16xf32>
      %add3A_372 = arith.constant 16 : i32
      %add3A_373 = arith.addi %add3A_145, %add3A_372 : i32
      %swap3A_374 = arith.constant 0 : i32
      %swap3A_375 = arith.index_cast %swap3A_374 : i32 to index
      %swap3A_376 = arith.index_cast %add3A_373 : i32 to index
      %swap3A_377 = tpu.vector_load %arg8[%swap3A_375, %swap3A_376] {strides = array<i32>} : memref<16x4096xf32, #tpu.memory_space<vmem>>, vector<16xf32>,
      tpu.vector_store %arg8[%swap3A_375, %swap3A_376], %add3A_371 {strides = array<i32>} : memref<16x4096xf32, #tpu.memory_space<vmem>>, vector<16xf32>,
      %add3A_378 = arith.constant 32 : i32
      %add3A_379 = arith.addi %add3A_145, %add3A_378 : i32
      %get3A_380 = arith.constant 0 : i32
      %get3A_381 = arith.index_cast %get3A_380 : i32 to index
      %get3A_382 = arith.index_cast %add3A_379 : i32 to index
      %get3A_383 = tpu.vector_load %arg8[%get3A_381, %get3A_382] {strides = array<i32>} : memref<16x4096xf32, #tpu.memory_space<vmem>>, vector<16xf32>,
      %add3A_384 = arith.constant 32 : i32
      %add3A_385 = arith.addi %add3A_145, %add3A_384 : i32
      %get3A_386 = arith.constant 1 : i32
      %get3A_387 = arith.index_cast %get3A_386 : i32 to index
      %get3A_388 = arith.index_cast %add3A_385 : i32 to index
      %get3A_389 = tpu.vector_load %arg8[%get3A_387, %get3A_388] {strides = array<i32>} : memref<16x4096xf32, #tpu.memory_space<vmem>>, vector<16xf32>,
      %add3A_390 = arith.addf %get3A_383, %get3A_389 : vector<16xf32>
      %add3A_391 = arith.constant 32 : i32
      %add3A_392 = arith.addi %add3A_145, %add3A_391 : i32
      %get3A_393 = arith.constant 2 : i32
      %get3A_394 = arith.index_cast %get3A_393 : i32 to index
      %get3A_395 = arith.index_cast %add3A_392 : i32 to index
      %get3A_396 = tpu.vector_load %arg8[%get3A_394, %get3A_395] {strides = array<i32>} : memref<16x4096xf32, #tpu.memory_space<vmem>>, vector<16xf32>,
      %add3A_397 = arith.addf %add3A_390, %get3A_396 : vector<16xf32>
      %add3A_398 = arith.constant 32 : i32
      %add3A_399 = arith.addi %add3A_145, %add3A_398 : i32
      %get3A_400 = arith.constant 3 : i32
      %get3A_401 = arith.index_cast %get3A_400 : i32 to index
      %get3A_402 = arith.index_cast %add3A_399 : i32 to index
      %get3A_403 = tpu.vector_load %arg8[%get3A_401, %get3A_402] {strides = array<i32>} : memref<16x4096xf32, #tpu.memory_space<vmem>>, vector<16xf32>,
      %add3A_404 = arith.addf %add3A_397, %get3A_403 : vector<16xf32>
      %add3A_405 = arith.constant 32 : i32
      %add3A_406 = arith.addi %add3A_145, %add3A_405 : i32
      %get3A_407 = arith.constant 4 : i32
      %get3A_408 = arith.index_cast %get3A_407 : i32 to index
      %get3A_409 = arith.index_cast %add3A_406 : i32 to index
      %get3A_410 = tpu.vector_load %arg8[%get3A_408, %get3A_409] {strides = array<i32>} : memref<16x4096xf32, #tpu.memory_space<vmem>>, vector<16xf32>,
      %add3A_411 = arith.addf %add3A_404, %get3A_410 : vector<16xf32>
      %add3A_412 = arith.constant 32 : i32
      %add3A_413 = arith.addi %add3A_145, %add3A_412 : i32
      %get3A_414 = arith.constant 5 : i32
      %get3A_415 = arith.index_cast %get3A_414 : i32 to index
      %get3A_416 = arith.index_cast %add3A_413 : i32 to index
      %get3A_417 = tpu.vector_load %arg8[%get3A_415, %get3A_416] {strides = array<i32>} : memref<16x4096xf32, #tpu.memory_space<vmem>>, vector<16xf32>,
      %add3A_418 = arith.addf %add3A_411, %get3A_417 : vector<16xf32>
      %add3A_419 = arith.constant 32 : i32
      %add3A_420 = arith.addi %add3A_145, %add3A_419 : i32
      %get3A_421 = arith.constant 6 : i32
      %get3A_422 = arith.index_cast %get3A_421 : i32 to index
      %get3A_423 = arith.index_cast %add3A_420 : i32 to index
      %get3A_424 = tpu.vector_load %arg8[%get3A_422, %get3A_423] {strides = array<i32>} : memref<16x4096xf32, #tpu.memory_space<vmem>>, vector<16xf32>,
      %add3A_425 = arith.addf %add3A_418, %get3A_424 : vector<16xf32>
      %add3A_426 = arith.constant 32 : i32
      %add3A_427 = arith.addi %add3A_145, %add3A_426 : i32
      %get3A_428 = arith.constant 7 : i32
      %get3A_429 = arith.index_cast %get3A_428 : i32 to index
      %get3A_430 = arith.index_cast %add3A_427 : i32 to index
      %get3A_431 = tpu.vector_load %arg8[%get3A_429, %get3A_430] {strides = array<i32>} : memref<16x4096xf32, #tpu.memory_space<vmem>>, vector<16xf32>,
      %add3A_432 = arith.addf %add3A_425, %get3A_431 : vector<16xf32>
      %add3A_433 = arith.constant 32 : i32
      %add3A_434 = arith.addi %add3A_145, %add3A_433 : i32
      %get3A_435 = arith.constant 8 : i32
      %get3A_436 = arith.index_cast %get3A_435 : i32 to index
      %get3A_437 = arith.index_cast %add3A_434 : i32 to index
      %get3A_438 = tpu.vector_load %arg8[%get3A_436, %get3A_437] {strides = array<i32>} : memref<16x4096xf32, #tpu.memory_space<vmem>>, vector<16xf32>,
      %add3A_439 = arith.addf %add3A_432, %get3A_438 : vector<16xf32>
      %add3A_440 = arith.constant 32 : i32
      %add3A_441 = arith.addi %add3A_145, %add3A_440 : i32
      %get3A_442 = arith.constant 9 : i32
      %get3A_443 = arith.index_cast %get3A_442 : i32 to index
      %get3A_444 = arith.index_cast %add3A_441 : i32 to index
      %get3A_445 = tpu.vector_load %arg8[%get3A_443, %get3A_444] {strides = array<i32>} : memref<16x4096xf32, #tpu.memory_space<vmem>>, vector<16xf32>,
      %add3A_446 = arith.addf %add3A_439, %get3A_445 : vector<16xf32>
      %add3A_447 = arith.constant 32 : i32
      %add3A_448 = arith.addi %add3A_145, %add3A_447 : i32
      %get3A_449 = arith.constant 10 : i32
      %get3A_450 = arith.index_cast %get3A_449 : i32 to index
      %get3A_451 = arith.index_cast %add3A_448 : i32 to index
      %get3A_452 = tpu.vector_load %arg8[%get3A_450, %get3A_451] {strides = array<i32>} : memref<16x4096xf32, #tpu.memory_space<vmem>>, vector<16xf32>,
      %add3A_453 = arith.addf %add3A_446, %get3A_452 : vector<16xf32>
      %add3A_454 = arith.constant 32 : i32
      %add3A_455 = arith.addi %add3A_145, %add3A_454 : i32
      %get3A_456 = arith.constant 11 : i32
      %get3A_457 = arith.index_cast %get3A_456 : i32 to index
      %get3A_458 = arith.index_cast %add3A_455 : i32 to index
      %get3A_459 = tpu.vector_load %arg8[%get3A_457, %get3A_458] {strides = array<i32>} : memref<16x4096xf32, #tpu.memory_space<vmem>>, vector<16xf32>,
      %add3A_460 = arith.addf %add3A_453, %get3A_459 : vector<16xf32>
      %add3A_461 = arith.constant 32 : i32
      %add3A_462 = arith.addi %add3A_145, %add3A_461 : i32
      %get3A_463 = arith.constant 12 : i32
      %get3A_464 = arith.index_cast %get3A_463 : i32 to index
      %get3A_465 = arith.index_cast %add3A_462 : i32 to index
      %get3A_466 = tpu.vector_load %arg8[%get3A_464, %get3A_465] {strides = array<i32>} : memref<16x4096xf32, #tpu.memory_space<vmem>>, vector<16xf32>,
      %add3A_467 = arith.addf %add3A_460, %get3A_466 : vector<16xf32>
      %add3A_468 = arith.constant 32 : i32
      %add3A_469 = arith.addi %add3A_145, %add3A_468 : i32
      %get3A_470 = arith.constant 13 : i32
      %get3A_471 = arith.index_cast %get3A_470 : i32 to index
      %get3A_472 = arith.index_cast %add3A_469 : i32 to index
      %get3A_473 = tpu.vector_load %arg8[%get3A_471, %get3A_472] {strides = array<i32>} : memref<16x4096xf32, #tpu.memory_space<vmem>>, vector<16xf32>,
      %add3A_474 = arith.addf %add3A_467, %get3A_473 : vector<16xf32>
      %add3A_475 = arith.constant 32 : i32
      %add3A_476 = arith.addi %add3A_145, %add3A_475 : i32
      %get3A_477 = arith.constant 14 : i32
      %get3A_478 = arith.index_cast %get3A_477 : i32 to index
      %get3A_479 = arith.index_cast %add3A_476 : i32 to index
      %get3A_480 = tpu.vector_load %arg8[%get3A_478, %get3A_479] {strides = array<i32>} : memref<16x4096xf32, #tpu.memory_space<vmem>>, vector<16xf32>,
      %add3A_481 = arith.addf %add3A_474, %get3A_480 : vector<16xf32>
      %add3A_482 = arith.constant 32 : i32
      %add3A_483 = arith.addi %add3A_145, %add3A_482 : i32
      %get3A_484 = arith.constant 15 : i32
      %get3A_485 = arith.index_cast %get3A_484 : i32 to index
      %get3A_486 = arith.index_cast %add3A_483 : i32 to index
      %get3A_487 = tpu.vector_load %arg8[%get3A_485, %get3A_486] {strides = array<i32>} : memref<16x4096xf32, #tpu.memory_space<vmem>>, vector<16xf32>,
      %add3A_488 = arith.addf %add3A_481, %get3A_487 : vector<16xf32>
      %add3A_489 = arith.constant 32 : i32
      %add3A_490 = arith.addi %add3A_145, %add3A_489 : i32
      %swap3A_491 = arith.constant 0 : i32
      %swap3A_492 = arith.index_cast %swap3A_491 : i32 to index
      %swap3A_493 = arith.index_cast %add3A_490 : i32 to index
      %swap3A_494 = tpu.vector_load %arg8[%swap3A_492, %swap3A_493] {strides = array<i32>} : memref<16x4096xf32, #tpu.memory_space<vmem>>, vector<16xf32>,
      tpu.vector_store %arg8[%swap3A_492, %swap3A_493], %add3A_488 {strides = array<i32>} : memref<16x4096xf32, #tpu.memory_space<vmem>>, vector<16xf32>,
      %add3A_495 = arith.constant 48 : i32
      %add3A_496 = arith.addi %add3A_145, %add3A_495 : i32
      %get3A_497 = arith.constant 0 : i32
      %get3A_498 = arith.index_cast %get3A_497 : i32 to index
      %get3A_499 = arith.index_cast %add3A_496 : i32 to index
      %get3A_500 = tpu.vector_load %arg8[%get3A_498, %get3A_499] {strides = array<i32>} : memref<16x4096xf32, #tpu.memory_space<vmem>>, vector<16xf32>,
      %add3A_501 = arith.constant 48 : i32
      %add3A_502 = arith.addi %add3A_145, %add3A_501 : i32
      %get3A_503 = arith.constant 1 : i32
      %get3A_504 = arith.index_cast %get3A_503 : i32 to index
      %get3A_505 = arith.index_cast %add3A_502 : i32 to index
      %get3A_506 = tpu.vector_load %arg8[%get3A_504, %get3A_505] {strides = array<i32>} : memref<16x4096xf32, #tpu.memory_space<vmem>>, vector<16xf32>,
      %add3A_507 = arith.addf %get3A_500, %get3A_506 : vector<16xf32>
      %add3A_508 = arith.constant 48 : i32
      %add3A_509 = arith.addi %add3A_145, %add3A_508 : i32
      %get3A_510 = arith.constant 2 : i32
      %get3A_511 = arith.index_cast %get3A_510 : i32 to index
      %get3A_512 = arith.index_cast %add3A_509 : i32 to index
      %get3A_513 = tpu.vector_load %arg8[%get3A_511, %get3A_512] {strides = array<i32>} : memref<16x4096xf32, #tpu.memory_space<vmem>>, vector<16xf32>,
      %add3A_514 = arith.addf %add3A_507, %get3A_513 : vector<16xf32>
      %add3A_515 = arith.constant 48 : i32
      %add3A_516 = arith.addi %add3A_145, %add3A_515 : i32
      %get3A_517 = arith.constant 3 : i32
      %get3A_518 = arith.index_cast %get3A_517 : i32 to index
      %get3A_519 = arith.index_cast %add3A_516 : i32 to index
      %get3A_520 = tpu.vector_load %arg8[%get3A_518, %get3A_519] {strides = array<i32>} : memref<16x4096xf32, #tpu.memory_space<vmem>>, vector<16xf32>,
      %add3A_521 = arith.addf %add3A_514, %get3A_520 : vector<16xf32>
      %add3A_522 = arith.constant 48 : i32
      %add3A_523 = arith.addi %add3A_145, %add3A_522 : i32
      %get3A_524 = arith.constant 4 : i32
      %get3A_525 = arith.index_cast %get3A_524 : i32 to index
      %get3A_526 = arith.index_cast %add3A_523 : i32 to index
      %get3A_527 = tpu.vector_load %arg8[%get3A_525, %get3A_526] {strides = array<i32>} : memref<16x4096xf32, #tpu.memory_space<vmem>>, vector<16xf32>,
      %add3A_528 = arith.addf %add3A_521, %get3A_527 : vector<16xf32>
      %add3A_529 = arith.constant 48 : i32
      %add3A_530 = arith.addi %add3A_145, %add3A_529 : i32
      %get3A_531 = arith.constant 5 : i32
      %get3A_532 = arith.index_cast %get3A_531 : i32 to index
      %get3A_533 = arith.index_cast %add3A_530 : i32 to index
      %get3A_534 = tpu.vector_load %arg8[%get3A_532, %get3A_533] {strides = array<i32>} : memref<16x4096xf32, #tpu.memory_space<vmem>>, vector<16xf32>,
      %add3A_535 = arith.addf %add3A_528, %get3A_534 : vector<16xf32>
      %add3A_536 = arith.constant 48 : i32
      %add3A_537 = arith.addi %add3A_145, %add3A_536 : i32
      %get3A_538 = arith.constant 6 : i32
      %get3A_539 = arith.index_cast %get3A_538 : i32 to index
      %get3A_540 = arith.index_cast %add3A_537 : i32 to index
      %get3A_541 = tpu.vector_load %arg8[%get3A_539, %get3A_540] {strides = array<i32>} : memref<16x4096xf32, #tpu.memory_space<vmem>>, vector<16xf32>,
      %add3A_542 = arith.addf %add3A_535, %get3A_541 : vector<16xf32>
      %add3A_543 = arith.constant 48 : i32
      %add3A_544 = arith.addi %add3A_145, %add3A_543 : i32
      %get3A_545 = arith.constant 7 : i32
      %get3A_546 = arith.index_cast %get3A_545 : i32 to index
      %get3A_547 = arith.index_cast %add3A_544 : i32 to index
      %get3A_548 = tpu.vector_load %arg8[%get3A_546, %get3A_547] {strides = array<i32>} : memref<16x4096xf32, #tpu.memory_space<vmem>>, vector<16xf32>,
      %add3A_549 = arith.addf %add3A_542, %get3A_548 : vector<16xf32>
      %add3A_550 = arith.constant 48 : i32
      %add3A_551 = arith.addi %add3A_145, %add3A_550 : i32
      %get3A_552 = arith.constant 8 : i32
      %get3A_553 = arith.index_cast %get3A_552 : i32 to index
      %get3A_554 = arith.index_cast %add3A_551 : i32 to index
      %get3A_555 = tpu.vector_load %arg8[%get3A_553, %get3A_554] {strides = array<i32>} : memref<16x4096xf32, #tpu.memory_space<vmem>>, vector<16xf32>,
      %add3A_556 = arith.addf %add3A_549, %get3A_555 : vector<16xf32>
      %add3A_557 = arith.constant 48 : i32
      %add3A_558 = arith.addi %add3A_145, %add3A_557 : i32
      %get3A_559 = arith.constant 9 : i32
      %get3A_560 = arith.index_cast %get3A_559 : i32 to index
      %get3A_561 = arith.index_cast %add3A_558 : i32 to index
      %get3A_562 = tpu.vector_load %arg8[%get3A_560, %get3A_561] {strides = array<i32>} : memref<16x4096xf32, #tpu.memory_space<vmem>>, vector<16xf32>,
      %add3A_563 = arith.addf %add3A_556, %get3A_562 : vector<16xf32>
      %add3A_564 = arith.constant 48 : i32
      %add3A_565 = arith.addi %add3A_145, %add3A_564 : i32
      %get3A_566 = arith.constant 10 : i32
      %get3A_567 = arith.index_cast %get3A_566 : i32 to index
      %get3A_568 = arith.index_cast %add3A_565 : i32 to index
      %get3A_569 = tpu.vector_load %arg8[%get3A_567, %get3A_568] {strides = array<i32>} : memref<16x4096xf32, #tpu.memory_space<vmem>>, vector<16xf32>,
      %add3A_570 = arith.addf %add3A_563, %get3A_569 : vector<16xf32>
      %add3A_571 = arith.constant 48 : i32
      %add3A_572 = arith.addi %add3A_145, %add3A_571 : i32
      %get3A_573 = arith.constant 11 : i32
      %get3A_574 = arith.index_cast %get3A_573 : i32 to index
      %get3A_575 = arith.index_cast %add3A_572 : i32 to index
      %get3A_576 = tpu.vector_load %arg8[%get3A_574, %get3A_575] {strides = array<i32>} : memref<16x4096xf32, #tpu.memory_space<vmem>>, vector<16xf32>,
      %add3A_577 = arith.addf %add3A_570, %get3A_576 : vector<16xf32>
      %add3A_578 = arith.constant 48 : i32
      %add3A_579 = arith.addi %add3A_145, %add3A_578 : i32
      %get3A_580 = arith.constant 12 : i32
      %get3A_581 = arith.index_cast %get3A_580 : i32 to index
      %get3A_582 = arith.index_cast %add3A_579 : i32 to index
      %get3A_583 = tpu.vector_load %arg8[%get3A_581, %get3A_582] {strides = array<i32>} : memref<16x4096xf32, #tpu.memory_space<vmem>>, vector<16xf32>,
      %add3A_584 = arith.addf %add3A_577, %get3A_583 : vector<16xf32>
      %add3A_585 = arith.constant 48 : i32
      %add3A_586 = arith.addi %add3A_145, %add3A_585 : i32
      %get3A_587 = arith.constant 13 : i32
      %get3A_588 = arith.index_cast %get3A_587 : i32 to index
      %get3A_589 = arith.index_cast %add3A_586 : i32 to index
      %get3A_590 = tpu.vector_load %arg8[%get3A_588, %get3A_589] {strides = array<i32>} : memref<16x4096xf32, #tpu.memory_space<vmem>>, vector<16xf32>,
      %add3A_591 = arith.addf %add3A_584, %get3A_590 : vector<16xf32>
      %add3A_592 = arith.constant 48 : i32
      %add3A_593 = arith.addi %add3A_145, %add3A_592 : i32
      %get3A_594 = arith.constant 14 : i32
      %get3A_595 = arith.index_cast %get3A_594 : i32 to index
      %get3A_596 = arith.index_cast %add3A_593 : i32 to index
      %get3A_597 = tpu.vector_load %arg8[%get3A_595, %get3A_596] {strides = array<i32>} : memref<16x4096xf32, #tpu.memory_space<vmem>>, vector<16xf32>,
      %add3A_598 = arith.addf %add3A_591, %get3A_597 : vector<16xf32>
      %add3A_599 = arith.constant 48 : i32
      %add3A_600 = arith.addi %add3A_145, %add3A_599 : i32
      %get3A_601 = arith.constant 15 : i32
      %get3A_602 = arith.index_cast %get3A_601 : i32 to index
      %get3A_603 = arith.index_cast %add3A_600 : i32 to index
      %get3A_604 = tpu.vector_load %arg8[%get3A_602, %get3A_603] {strides = array<i32>} : memref<16x4096xf32, #tpu.memory_space<vmem>>, vector<16xf32>,
      %add3A_605 = arith.addf %add3A_598, %get3A_604 : vector<16xf32>
      %add3A_606 = arith.constant 48 : i32
      %add3A_607 = arith.addi %add3A_145, %add3A_606 : i32
      %swap3A_608 = arith.constant 0 : i32
      %swap3A_609 = arith.index_cast %swap3A_608 : i32 to index
      %swap3A_610 = arith.index_cast %add3A_607 : i32 to index
      %swap3A_611 = tpu.vector_load %arg8[%swap3A_609, %swap3A_610] {strides = array<i32>} : memref<16x4096xf32, #tpu.memory_space<vmem>>, vector<16xf32>,
      tpu.vector_store %arg8[%swap3A_609, %swap3A_610], %add3A_605 {strides = array<i32>} : memref<16x4096xf32, #tpu.memory_space<vmem>>, vector<16xf32>,
    }
    %scan3A_139 = arith.constant 64 : i32
    %run_scoped3A_140 = arith.constant 0 : i32
    "tpu.region"() ({
      %run_scoped3A_141 = tpu.sem_alloc : memref<!tpu.dma_semaphore, #tpu.memory_space<semaphore_mem>>
      %dma_start3A_142 = arith.constant 0 : i32
      %dma_start3A_143 = tpu.memref_slice %arg8[%run_scoped3A_140, %dma_start3A_142] : memref<16x4096xf32, #tpu.memory_space<vmem>> -> memref<1x4096xf32, #tpu.memory_space<vmem>>
      %dma_start3A_144 = tpu.memref_squeeze %dma_start3A_143 : memref<1x4096xf32, #tpu.memory_space<vmem>> -> memref<4096xf32, #tpu.memory_space<vmem>>
      %dma_start3A_145 = arith.constant 0 : i32
      %dma_start3A_146 = tpu.memref_slice %arg5[%add3A, %dma_start3A_145] : memref<32x4096xf32, #tpu.memory_space<hbm>> -> memref<1x4096xf32, #tpu.memory_space<hbm>>
      %dma_start3A_147 = tpu.memref_squeeze %dma_start3A_146 : memref<1x4096xf32, #tpu.memory_space<hbm>> -> memref<4096xf32, #tpu.memory_space<hbm>>
      %dma_start3A_148 = arith.constant 0 : i32
      %dma_start3A_149 = tpu.memref_slice %arg5[%add3A, %dma_start3A_148] : memref<32x4096xf32, #tpu.memory_space<hbm>> -> memref<1x4096xf32, #tpu.memory_space<hbm>>
      %dma_start3A_150 = tpu.memref_squeeze %dma_start3A_149 : memref<1x4096xf32, #tpu.memory_space<hbm>> -> memref<4096xf32, #tpu.memory_space<hbm>>
      %dma_start3A_151 = arith.constant 0 : i32
      %dma_start3A_152 = tpu.memref_slice %arg8[%run_scoped3A_140, %dma_start3A_151] : memref<16x4096xf32, #tpu.memory_space<vmem>> -> memref<1x4096xf32, #tpu.memory_space<vmem>>
      %dma_start3A_153 = tpu.memref_squeeze %dma_start3A_152 : memref<1x4096xf32, #tpu.memory_space<vmem>> -> memref<4096xf32, #tpu.memory_space<vmem>>
      tpu.enqueue_dma source(%dma_start3A_153 : memref<4096xf32, #tpu.memory_space<vmem>>) target(%dma_start3A_150 : memref<4096xf32, #tpu.memory_space<hbm>>) target_semaphore(%run_scoped3A_141 : memref<!tpu.dma_semaphore, #tpu.memory_space<semaphore_mem>>)
      %dma_wait3A_154 = arith.constant 0 : i32
      %dma_wait3A_155 = tpu.memref_slice %arg8[%run_scoped3A_140, %dma_wait3A_154] : memref<16x4096xf32, #tpu.memory_space<vmem>> -> memref<1x4096xf32, #tpu.memory_space<vmem>>
      %dma_wait3A_156 = tpu.memref_squeeze %dma_wait3A_155 : memref<1x4096xf32, #tpu.memory_space<vmem>> -> memref<4096xf32, #tpu.memory_space<vmem>>
      %dma_wait3A_157 = arith.constant 0 : i32
      %dma_wait3A_158 = tpu.memref_slice %arg5[%add3A, %dma_wait3A_157] : memref<32x4096xf32, #tpu.memory_space<hbm>> -> memref<1x4096xf32, #tpu.memory_space<hbm>>
      %dma_wait3A_159 = tpu.memref_squeeze %dma_wait3A_158 : memref<1x4096xf32, #tpu.memory_space<hbm>> -> memref<4096xf32, #tpu.memory_space<hbm>>
      %dma_wait3A_160 = arith.constant 0 : i32
      %dma_wait3A_161 = tpu.memref_slice %arg5[%add3A, %dma_wait3A_160] : memref<32x4096xf32, #tpu.memory_space<hbm>> -> memref<1x4096xf32, #tpu.memory_space<hbm>>
      %dma_wait3A_162 = tpu.memref_squeeze %dma_wait3A_161 : memref<1x4096xf32, #tpu.memory_space<hbm>> -> memref<4096xf32, #tpu.memory_space<hbm>>
      %dma_wait3A_163 = arith.constant 0 : i32
      %dma_wait3A_164 = tpu.memref_slice %arg8[%run_scoped3A_140, %dma_wait3A_163] : memref<16x4096xf32, #tpu.memory_space<vmem>> -> memref<1x4096xf32, #tpu.memory_space<vmem>>
      %dma_wait3A_165 = tpu.memref_squeeze %dma_wait3A_164 : memref<1x4096xf32, #tpu.memory_space<vmem>> -> memref<4096xf32, #tpu.memory_space<vmem>>
      tpu.wait_dma2 semaphore(%run_scoped3A_141 : memref<!tpu.dma_semaphore, #tpu.memory_space<semaphore_mem>>) src(%dma_wait3A_165 : memref<4096xf32, #tpu.memory_space<vmem>>) dst(%dma_wait3A_162 : memref<4096xf32, #tpu.memory_space<hbm>>)
      tpu.yield
    }) : () -> ()
    return
  }
}

module attributes {stable_mosaic.version = 14 : i64} {
  func.func @_enc_body(%arg0: i32, %arg1: memref<2048x128xf32, #tpu.memory_space<vmem>>, %arg2: memref<128x512xf32, #tpu.memory_space<vmem>>, %arg3: memref<1x512xf32, #tpu.memory_space<vmem>>, %arg4: memref<1x512xf32, #tpu.memory_space<vmem>>, %arg5: memref<1x512xf32, #tpu.memory_space<vmem>>, %arg6: memref<1x512xf32, #tpu.memory_space<vmem>>, %arg7: memref<1x512xf32, #tpu.memory_space<vmem>>, %arg8: memref<512x512xf32, #tpu.memory_space<vmem>>, %arg9: memref<1x512xf32, #tpu.memory_space<vmem>>, %arg10: memref<512x256xf32, #tpu.memory_space<vmem>>, %arg11: memref<1x256xf32, #tpu.memory_space<vmem>>, %arg12: memref<256x64xf32, #tpu.memory_space<vmem>>, %arg13: memref<1x64xf32, #tpu.memory_space<vmem>>, %arg14: memref<64x4096xf32, #tpu.memory_space<vmem>>, %arg15: memref<4096x64xf32, #tpu.memory_space<vmem>>, %arg16: memref<2048x64xf32, #tpu.memory_space<vmem>>, %arg17: memref<16x128xi32, #tpu.memory_space<vmem>>, %arg18: memref<4096x128xf32, #tpu.memory_space<vmem>>) attributes {dimension_semantics = [#tpu.dimension_semantics<arbitrary>], iteration_bounds = array<i64: 8>, scalar_prefetch = 0 : i64, scratch_operands = 0 : i64, tpu.core_type = #tpu.core_type<tc>, window_params = [{transform_indices = @transform_0, window_bounds = array<i64: 2048, 128>}, {pipeline_mode = #tpu.pipeline_mode<synchronous>, transform_indices = @transform_1, window_bounds = array<i64: 128, 512>}, {pipeline_mode = #tpu.pipeline_mode<synchronous>, transform_indices = @transform_2, window_bounds = array<i64: 1, 512>}, {pipeline_mode = #tpu.pipeline_mode<synchronous>, transform_indices = @transform_3, window_bounds = array<i64: 1, 512>}, {pipeline_mode = #tpu.pipeline_mode<synchronous>, transform_indices = @transform_4, window_bounds = array<i64: 1, 512>}, {pipeline_mode = #tpu.pipeline_mode<synchronous>, transform_indices = @transform_5, window_bounds = array<i64: 1, 512>}, {pipeline_mode = #tpu.pipeline_mode<synchronous>, transform_indices = @transform_6, window_bounds = array<i64: 1, 512>}, {pipeline_mode = #tpu.pipeline_mode<synchronous>, transform_indices = @transform_7, window_bounds = array<i64: 512, 512>}, {pipeline_mode = #tpu.pipeline_mode<synchronous>, transform_indices = @transform_8, window_bounds = array<i64: 1, 512>}, {pipeline_mode = #tpu.pipeline_mode<synchronous>, transform_indices = @transform_9, window_bounds = array<i64: 512, 256>}, {pipeline_mode = #tpu.pipeline_mode<synchronous>, transform_indices = @transform_10, window_bounds = array<i64: 1, 256>}, {pipeline_mode = #tpu.pipeline_mode<synchronous>, transform_indices = @transform_11, window_bounds = array<i64: 256, 64>}, {pipeline_mode = #tpu.pipeline_mode<synchronous>, transform_indices = @transform_12, window_bounds = array<i64: 1, 64>}, {pipeline_mode = #tpu.pipeline_mode<synchronous>, transform_indices = @transform_13, window_bounds = array<i64: 64, 4096>}, {pipeline_mode = #tpu.pipeline_mode<synchronous>, transform_indices = @transform_14, window_bounds = array<i64: 4096, 64>}, {transform_indices = @transform_15, window_bounds = array<i64: 2048, 64>}, {transform_indices = @transform_16, window_bounds = array<i64: 16, 128>}, {pipeline_mode = #tpu.pipeline_mode<synchronous>, transform_indices = @transform_17, window_bounds = array<i64: 4096, 128>}]} {
    %eq3A = arith.constant 0 : i32
    %eq3A_0 = arith.cmpi eq, %arg0, %eq3A : i32
    %convert_element_type3A = arith.extui %eq3A_0 : i1 to i32
    %cond3A = arith.constant 0 : i32
    %cond3A_1 = arith.cmpi ne, %convert_element_type3A, %cond3A : i32
    scf.if %cond3A_1 {
      %broadcast_in_dim3A_105 = arith.constant 0.000000e+00 : f32
      %broadcast_in_dim3A_106 = vector.broadcast %broadcast_in_dim3A_105 : f32 to vector<4096x128xf32>
      %swap3A_107 = arith.constant 0 : index
      %swap3A_108 = arith.constant 0 : index
      %swap3A_109 = vector.load %arg18[%swap3A_107, %swap3A_108] : memref<4096x128xf32, #tpu.memory_space<vmem>>, vector<4096x128xf32>
      tpu.vector_store %arg18[%swap3A_107, %swap3A_108], %broadcast_in_dim3A_106 {strides = array<i32>} : memref<4096x128xf32, #tpu.memory_space<vmem>>, vector<4096x128xf32>,
      %get3A_110 = arith.constant 0 : index
      %get3A_111 = arith.constant 0 : index
      %get3A_112 = vector.load %arg15[%get3A_110, %get3A_111] : memref<4096x64xf32, #tpu.memory_space<vmem>>, vector<4096x64xf32>
      %swap3A_113 = arith.constant 0 : index
      %swap3A_114 = arith.constant 0 : index
      %swap3A_115 = vector.load %arg18[%swap3A_113, %swap3A_114] : memref<4096x128xf32, #tpu.memory_space<vmem>>, vector<4096x64xf32>
      tpu.vector_store %arg18[%swap3A_113, %swap3A_114], %get3A_112 {strides = array<i32>} : memref<4096x128xf32, #tpu.memory_space<vmem>>, vector<4096x64xf32>,
    } else {
    }
    %get3A = arith.constant 0 : index
    %get3A_2 = arith.constant 0 : index
    %get3A_3 = vector.load %arg1[%get3A, %get3A_2] : memref<2048x128xf32, #tpu.memory_space<vmem>>, vector<2048x128xf32>
    %get3A_4 = arith.constant 0 : index
    %get3A_5 = arith.constant 0 : index
    %get3A_6 = vector.load %arg2[%get3A_4, %get3A_5] : memref<128x512xf32, #tpu.memory_space<vmem>>, vector<128x512xf32>
    %dot_general3A = arith.constant dense<0.000000e+00> : vector<2048x512xf32>
    %dot_general3A_7 = tpu.matmul %get3A_3, %get3A_6, %dot_general3A {dimension_numbers = #tpu.dot_dimension_numbers<[1], [0], [0], [1], [0, 0, 1, 1], [], []>, transpose_lhs_hint = false} : vector<2048x128xf32>, vector<128x512xf32>, vector<2048x512xf32> -> vector<2048x512xf32>
    %get3A_8 = arith.constant 0 : index
    %get3A_9 = arith.constant 0 : index
    %get3A_10 = vector.load %arg3[%get3A_8, %get3A_9] : memref<1x512xf32, #tpu.memory_space<vmem>>, vector<1x512xf32>
    %add3A = vector.broadcast %get3A_10 : vector<1x512xf32> to vector<2048x512xf32>
    %add3A_11 = arith.addf %dot_general3A_7, %add3A : vector<2048x512xf32>
    %get3A_12 = arith.constant 0 : index
    %get3A_13 = arith.constant 0 : index
    %get3A_14 = vector.load %arg6[%get3A_12, %get3A_13] : memref<1x512xf32, #tpu.memory_space<vmem>>, vector<1x512xf32>
    %sub3A = vector.broadcast %get3A_14 : vector<1x512xf32> to vector<2048x512xf32>
    %sub3A_15 = arith.subf %add3A_11, %sub3A : vector<2048x512xf32>
    %get3A_16 = arith.constant 0 : index
    %get3A_17 = arith.constant 0 : index
    %get3A_18 = vector.load %arg7[%get3A_16, %get3A_17] : memref<1x512xf32, #tpu.memory_space<vmem>>, vector<1x512xf32>
    %add3A_19 = arith.constant 9.99999974E-6 : f32
    %add3A_20 = vector.broadcast %add3A_19 : f32 to vector<1x512xf32>
    %add3A_21 = arith.addf %get3A_18, %add3A_20 : vector<1x512xf32>
    %sqrt3A = math.sqrt %add3A_21 : vector<1x512xf32>
    %div3A = vector.broadcast %sqrt3A : vector<1x512xf32> to vector<2048x512xf32>
    %div3A_22 = arith.divf %sub3A_15, %div3A : vector<2048x512xf32>
    %get3A_23 = arith.constant 0 : index
    %get3A_24 = arith.constant 0 : index
    %get3A_25 = vector.load %arg4[%get3A_23, %get3A_24] : memref<1x512xf32, #tpu.memory_space<vmem>>, vector<1x512xf32>
    %mul3A = vector.broadcast %get3A_25 : vector<1x512xf32> to vector<2048x512xf32>
    %mul3A_26 = arith.mulf %div3A_22, %mul3A : vector<2048x512xf32>
    %get3A_27 = arith.constant 0 : index
    %get3A_28 = arith.constant 0 : index
    %get3A_29 = vector.load %arg5[%get3A_27, %get3A_28] : memref<1x512xf32, #tpu.memory_space<vmem>>, vector<1x512xf32>
    %add3A_30 = vector.broadcast %get3A_29 : vector<1x512xf32> to vector<2048x512xf32>
    %add3A_31 = arith.addf %mul3A_26, %add3A_30 : vector<2048x512xf32>
    %max3A = arith.constant 0.000000e+00 : f32
    %max3A_32 = vector.broadcast %max3A : f32 to vector<2048x512xf32>
    %max3A_33 = arith.maximumf %add3A_31, %max3A_32 : vector<2048x512xf32>
    %get3A_34 = arith.constant 0 : index
    %get3A_35 = arith.constant 0 : index
    %get3A_36 = vector.load %arg8[%get3A_34, %get3A_35] : memref<512x512xf32, #tpu.memory_space<vmem>>, vector<512x512xf32>
    %dot_general3A_37 = arith.constant dense<0.000000e+00> : vector<2048x512xf32>
    %dot_general3A_38 = tpu.matmul %max3A_33, %get3A_36, %dot_general3A_37 {dimension_numbers = #tpu.dot_dimension_numbers<[1], [0], [0], [1], [0, 0, 1, 1], [], []>, transpose_lhs_hint = false} : vector<2048x512xf32>, vector<512x512xf32>, vector<2048x512xf32> -> vector<2048x512xf32>
    %get3A_39 = arith.constant 0 : index
    %get3A_40 = arith.constant 0 : index
    %get3A_41 = vector.load %arg9[%get3A_39, %get3A_40] : memref<1x512xf32, #tpu.memory_space<vmem>>, vector<1x512xf32>
    %add3A_42 = vector.broadcast %get3A_41 : vector<1x512xf32> to vector<2048x512xf32>
    %add3A_43 = arith.addf %dot_general3A_38, %add3A_42 : vector<2048x512xf32>
    %max3A_44 = arith.constant 0.000000e+00 : f32
    %max3A_45 = vector.broadcast %max3A_44 : f32 to vector<2048x512xf32>
    %max3A_46 = arith.maximumf %add3A_43, %max3A_45 : vector<2048x512xf32>
    %get3A_47 = arith.constant 0 : index
    %get3A_48 = arith.constant 0 : index
    %get3A_49 = vector.load %arg10[%get3A_47, %get3A_48] : memref<512x256xf32, #tpu.memory_space<vmem>>, vector<512x256xf32>
    %dot_general3A_50 = arith.constant dense<0.000000e+00> : vector<2048x256xf32>
    %dot_general3A_51 = tpu.matmul %max3A_46, %get3A_49, %dot_general3A_50 {dimension_numbers = #tpu.dot_dimension_numbers<[1], [0], [0], [1], [0, 0, 1, 1], [], []>, transpose_lhs_hint = false} : vector<2048x512xf32>, vector<512x256xf32>, vector<2048x256xf32> -> vector<2048x256xf32>
    %get3A_52 = arith.constant 0 : index
    %get3A_53 = arith.constant 0 : index
    %get3A_54 = vector.load %arg11[%get3A_52, %get3A_53] : memref<1x256xf32, #tpu.memory_space<vmem>>, vector<1x256xf32>
    %add3A_55 = vector.broadcast %get3A_54 : vector<1x256xf32> to vector<2048x256xf32>
    %add3A_56 = arith.addf %dot_general3A_51, %add3A_55 : vector<2048x256xf32>
    %max3A_57 = arith.constant 0.000000e+00 : f32
    %max3A_58 = vector.broadcast %max3A_57 : f32 to vector<2048x256xf32>
    %max3A_59 = arith.maximumf %add3A_56, %max3A_58 : vector<2048x256xf32>
    %get3A_60 = arith.constant 0 : index
    %get3A_61 = arith.constant 0 : index
    %get3A_62 = vector.load %arg12[%get3A_60, %get3A_61] : memref<256x64xf32, #tpu.memory_space<vmem>>, vector<256x64xf32>
    %dot_general3A_63 = arith.constant dense<0.000000e+00> : vector<2048x64xf32>
    %dot_general3A_64 = tpu.matmul %max3A_59, %get3A_62, %dot_general3A_63 {dimension_numbers = #tpu.dot_dimension_numbers<[1], [0], [0], [1], [0, 0, 1, 1], [], []>, transpose_lhs_hint = false} : vector<2048x256xf32>, vector<256x64xf32>, vector<2048x64xf32> -> vector<2048x64xf32>
    %get3A_65 = arith.constant 0 : index
    %get3A_66 = arith.constant 0 : index
    %get3A_67 = vector.load %arg13[%get3A_65, %get3A_66] : memref<1x64xf32, #tpu.memory_space<vmem>>, vector<1x64xf32>
    %add3A_68 = vector.broadcast %get3A_67 : vector<1x64xf32> to vector<2048x64xf32>
    %add3A_69 = arith.addf %dot_general3A_64, %add3A_68 : vector<2048x64xf32>
    %swap3A = arith.constant 0 : index
    %swap3A_70 = arith.constant 0 : index
    %swap3A_71 = vector.load %arg16[%swap3A, %swap3A_70] : memref<2048x64xf32, #tpu.memory_space<vmem>>, vector<2048x64xf32>
    tpu.vector_store %arg16[%swap3A, %swap3A_70], %add3A_69 {strides = array<i32>} : memref<2048x64xf32, #tpu.memory_space<vmem>>, vector<2048x64xf32>,
    %mul3A_72 = arith.mulf %add3A_69, %add3A_69 : vector<2048x64xf32>
    %reduce_sum3A = arith.constant dense<0.000000e+00> : vector<2048xf32>
    %reduce_sum3A_73 = vector.multi_reduction <add>, %mul3A_72, %reduce_sum3A [1] : vector<2048x64xf32> to vector<2048xf32>
    %broadcast_in_dim3A = vector.shape_cast %reduce_sum3A_73 : vector<2048xf32> to vector<2048x1xf32>
    %sqrt3A_74 = math.sqrt %broadcast_in_dim3A : vector<2048x1xf32>
    %max3A_75 = arith.constant 9.99999996E-13 : f32
    %max3A_76 = vector.broadcast %max3A_75 : f32 to vector<2048x1xf32>
    %max3A_77 = arith.maximumf %sqrt3A_74, %max3A_76 : vector<2048x1xf32>
    %div3A_78 = vector.broadcast %max3A_77 : vector<2048x1xf32> to vector<2048x64xf32>
    %div3A_79 = arith.divf %add3A_69, %div3A_78 : vector<2048x64xf32>
    %get3A_80 = arith.constant 0 : index
    %get3A_81 = arith.constant 0 : index
    %get3A_82 = vector.load %arg14[%get3A_80, %get3A_81] : memref<64x4096xf32, #tpu.memory_space<vmem>>, vector<64x4096xf32>
    %mul3A_83 = arith.mulf %get3A_82, %get3A_82 : vector<64x4096xf32>
    %reduce_sum3A_84 = arith.constant dense<0.000000e+00> : vector<4096xf32>
    %reduce_sum3A_85 = vector.multi_reduction <add>, %mul3A_83, %reduce_sum3A_84 [0] : vector<64x4096xf32> to vector<4096xf32>
    %broadcast_in_dim3A_86 = vector.shape_cast %reduce_sum3A_85 : vector<4096xf32> to vector<1x4096xf32>
    %sqrt3A_87 = math.sqrt %broadcast_in_dim3A_86 : vector<1x4096xf32>
    %max3A_88 = arith.constant 9.99999996E-13 : f32
    %max3A_89 = vector.broadcast %max3A_88 : f32 to vector<1x4096xf32>
    %max3A_90 = arith.maximumf %sqrt3A_87, %max3A_89 : vector<1x4096xf32>
    %div3A_91 = vector.broadcast %max3A_90 : vector<1x4096xf32> to vector<64x4096xf32>
    %div3A_92 = arith.divf %get3A_82, %div3A_91 : vector<64x4096xf32>
    %dot_general3A_93 = arith.constant dense<0.000000e+00> : vector<2048x4096xf32>
    %dot_general3A_94 = tpu.matmul %div3A_79, %div3A_92, %dot_general3A_93 {dimension_numbers = #tpu.dot_dimension_numbers<[1], [0], [0], [1], [0, 0, 1, 1], [], []>, transpose_lhs_hint = false} : vector<2048x64xf32>, vector<64x4096xf32>, vector<2048x4096xf32> -> vector<2048x4096xf32>
    %mul3A_95 = arith.constant 2.000000e+00 : f32
    %mul3A_96 = vector.broadcast %mul3A_95 : f32 to vector<2048x4096xf32>
    %mul3A_97 = arith.mulf %mul3A_96, %dot_general3A_94 : vector<2048x4096xf32>
    %sub3A_98 = arith.constant 2.000000e+00 : f32
    %sub3A_99 = vector.broadcast %sub3A_98 : f32 to vector<2048x4096xf32>
    %sub3A_100 = arith.subf %sub3A_99, %mul3A_97 : vector<2048x4096xf32>
    %argmin3A = tpu.reduce_index %sub3A_100 {axis = 1 : i32, kind = #tpu.reduction_kind<arg_min>} : vector<2048x4096xf32> -> vector<2048xi32>
    %broadcast_in_dim3A_101 = vector.shape_cast %argmin3A : vector<2048xi32> to vector<2048x1xi32>
    %reshape3A = vector.shape_cast %broadcast_in_dim3A_101 : vector<2048x1xi32> to vector<16x128xi32>
    %swap3A_102 = arith.constant 0 : index
    %swap3A_103 = arith.constant 0 : index
    %swap3A_104 = vector.load %arg17[%swap3A_102, %swap3A_103] : memref<16x128xi32, #tpu.memory_space<vmem>>, vector<16x128xi32>
    tpu.vector_store %arg17[%swap3A_102, %swap3A_103], %reshape3A {strides = array<i32>} : memref<16x128xi32, #tpu.memory_space<vmem>>, vector<16x128xi32>,
    return
  }
  func.func @transform_0(%arg0: i32) -> (i32, i32) {
    %c0_i32 = arith.constant 0 : i32
    %c0_i32_0 = arith.constant 0 : i32
    return %arg0, %c0_i32 : i32, i32
  }
  func.func @transform_1(%arg0: i32) -> (i32, i32) {
    %c0_i32 = arith.constant 0 : i32
    %c0_i32_0 = arith.constant 0 : i32
    %c0_i32_1 = arith.constant 0 : i32
    return %c0_i32, %c0_i32_0 : i32, i32
  }
  func.func @transform_2(%arg0: i32) -> (i32, i32) {
    %c0_i32 = arith.constant 0 : i32
    %c0_i32_0 = arith.constant 0 : i32
    %c0_i32_1 = arith.constant 0 : i32
    return %c0_i32, %c0_i32_0 : i32, i32
  }
  func.func @transform_3(%arg0: i32) -> (i32, i32) {
    %c0_i32 = arith.constant 0 : i32
    %c0_i32_0 = arith.constant 0 : i32
    %c0_i32_1 = arith.constant 0 : i32
    return %c0_i32, %c0_i32_0 : i32, i32
  }
  func.func @transform_4(%arg0: i32) -> (i32, i32) {
    %c0_i32 = arith.constant 0 : i32
    %c0_i32_0 = arith.constant 0 : i32
    %c0_i32_1 = arith.constant 0 : i32
    return %c0_i32, %c0_i32_0 : i32, i32
  }
  func.func @transform_5(%arg0: i32) -> (i32, i32) {
    %c0_i32 = arith.constant 0 : i32
    %c0_i32_0 = arith.constant 0 : i32
    %c0_i32_1 = arith.constant 0 : i32
    return %c0_i32, %c0_i32_0 : i32, i32
  }
  func.func @transform_6(%arg0: i32) -> (i32, i32) {
    %c0_i32 = arith.constant 0 : i32
    %c0_i32_0 = arith.constant 0 : i32
    %c0_i32_1 = arith.constant 0 : i32
    return %c0_i32, %c0_i32_0 : i32, i32
  }
  func.func @transform_7(%arg0: i32) -> (i32, i32) {
    %c0_i32 = arith.constant 0 : i32
    %c0_i32_0 = arith.constant 0 : i32
    %c0_i32_1 = arith.constant 0 : i32
    return %c0_i32, %c0_i32_0 : i32, i32
  }
  func.func @transform_8(%arg0: i32) -> (i32, i32) {
    %c0_i32 = arith.constant 0 : i32
    %c0_i32_0 = arith.constant 0 : i32
    %c0_i32_1 = arith.constant 0 : i32
    return %c0_i32, %c0_i32_0 : i32, i32
  }
  func.func @transform_9(%arg0: i32) -> (i32, i32) {
    %c0_i32 = arith.constant 0 : i32
    %c0_i32_0 = arith.constant 0 : i32
    %c0_i32_1 = arith.constant 0 : i32
    return %c0_i32, %c0_i32_0 : i32, i32
  }
  func.func @transform_10(%arg0: i32) -> (i32, i32) {
    %c0_i32 = arith.constant 0 : i32
    %c0_i32_0 = arith.constant 0 : i32
    %c0_i32_1 = arith.constant 0 : i32
    return %c0_i32, %c0_i32_0 : i32, i32
  }
  func.func @transform_11(%arg0: i32) -> (i32, i32) {
    %c0_i32 = arith.constant 0 : i32
    %c0_i32_0 = arith.constant 0 : i32
    %c0_i32_1 = arith.constant 0 : i32
    return %c0_i32, %c0_i32_0 : i32, i32
  }
  func.func @transform_12(%arg0: i32) -> (i32, i32) {
    %c0_i32 = arith.constant 0 : i32
    %c0_i32_0 = arith.constant 0 : i32
    %c0_i32_1 = arith.constant 0 : i32
    return %c0_i32, %c0_i32_0 : i32, i32
  }
  func.func @transform_13(%arg0: i32) -> (i32, i32) {
    %c0_i32 = arith.constant 0 : i32
    %c0_i32_0 = arith.constant 0 : i32
    %c0_i32_1 = arith.constant 0 : i32
    return %c0_i32, %c0_i32_0 : i32, i32
  }
  func.func @transform_14(%arg0: i32) -> (i32, i32) {
    %c0_i32 = arith.constant 0 : i32
    %c0_i32_0 = arith.constant 0 : i32
    %c0_i32_1 = arith.constant 0 : i32
    return %c0_i32, %c0_i32_0 : i32, i32
  }
  func.func @transform_15(%arg0: i32) -> (i32, i32) {
    %c0_i32 = arith.constant 0 : i32
    %c0_i32_0 = arith.constant 0 : i32
    return %arg0, %c0_i32 : i32, i32
  }
  func.func @transform_16(%arg0: i32) -> (i32, i32) {
    %c0_i32 = arith.constant 0 : i32
    %c0_i32_0 = arith.constant 0 : i32
    return %arg0, %c0_i32 : i32, i32
  }
  func.func @transform_17(%arg0: i32) -> (i32, i32) {
    %c0_i32 = arith.constant 0 : i32
    %c0_i32_0 = arith.constant 0 : i32
    %c0_i32_1 = arith.constant 0 : i32
    return %c0_i32, %c0_i32_0 : i32, i32
  }
}

module attributes {stable_mosaic.version = 14 : i64} {
  func.func @_dec_body(%arg0: i32, %arg1: memref<2048x64xf32, #tpu.memory_space<vmem>>, %arg2: memref<2048x128xf32, #tpu.memory_space<vmem>>, %arg3: memref<32x4096xf32, #tpu.memory_space<vmem>>, %arg4: memref<64x256xbf16, #tpu.memory_space<vmem>>, %arg5: memref<1x256xf32, #tpu.memory_space<vmem>>, %arg6: memref<256x512xbf16, #tpu.memory_space<vmem>>, %arg7: memref<1x512xf32, #tpu.memory_space<vmem>>, %arg8: memref<512x512xbf16, #tpu.memory_space<vmem>>, %arg9: memref<1x512xf32, #tpu.memory_space<vmem>>, %arg10: memref<512x128xbf16, #tpu.memory_space<vmem>>, %arg11: memref<1x128xf32, #tpu.memory_space<vmem>>, %arg12: memref<2048x128xf32, #tpu.memory_space<vmem>>, %arg13: memref<1x1xf32, #tpu.memory_space<vmem>>, %arg14: memref<1x1xf32, #tpu.memory_space<vmem>>, %arg15: memref<1x1xf32, #tpu.memory_space<vmem>>) attributes {dimension_semantics = [#tpu.dimension_semantics<arbitrary>], iteration_bounds = array<i64: 8>, scalar_prefetch = 0 : i64, scratch_operands = 1 : i64, tpu.core_type = #tpu.core_type<tc>, window_params = [{transform_indices = @transform_0, window_bounds = array<i64: 2048, 64>}, {transform_indices = @transform_1, window_bounds = array<i64: 2048, 128>}, {pipeline_mode = #tpu.pipeline_mode<synchronous>, transform_indices = @transform_2, window_bounds = array<i64: 32, 4096>}, {pipeline_mode = #tpu.pipeline_mode<synchronous>, transform_indices = @transform_3, window_bounds = array<i64: 64, 256>}, {pipeline_mode = #tpu.pipeline_mode<synchronous>, transform_indices = @transform_4, window_bounds = array<i64: 1, 256>}, {pipeline_mode = #tpu.pipeline_mode<synchronous>, transform_indices = @transform_5, window_bounds = array<i64: 256, 512>}, {pipeline_mode = #tpu.pipeline_mode<synchronous>, transform_indices = @transform_6, window_bounds = array<i64: 1, 512>}, {pipeline_mode = #tpu.pipeline_mode<synchronous>, transform_indices = @transform_7, window_bounds = array<i64: 512, 512>}, {pipeline_mode = #tpu.pipeline_mode<synchronous>, transform_indices = @transform_8, window_bounds = array<i64: 1, 512>}, {pipeline_mode = #tpu.pipeline_mode<synchronous>, transform_indices = @transform_9, window_bounds = array<i64: 512, 128>}, {pipeline_mode = #tpu.pipeline_mode<synchronous>, transform_indices = @transform_10, window_bounds = array<i64: 1, 128>}, {transform_indices = @transform_11, window_bounds = array<i64: 2048, 128>}, {pipeline_mode = #tpu.pipeline_mode<synchronous>, transform_indices = @transform_12, window_bounds = array<i64: 1, 1>}, {pipeline_mode = #tpu.pipeline_mode<synchronous>, transform_indices = @transform_13, window_bounds = array<i64: 1, 1>}]} {
    %eq3A = arith.constant 0 : i32
    %eq3A_0 = arith.cmpi eq, %arg0, %eq3A : i32
    %convert_element_type3A = arith.extui %eq3A_0 : i1 to i32
    %cond3A = arith.constant 0 : i32
    %cond3A_1 = arith.cmpi ne, %convert_element_type3A, %cond3A : i32
    scf.if %cond3A_1 {
      %broadcast_in_dim3A = arith.constant 0.000000e+00 : f32
      %broadcast_in_dim3A_78 = vector.broadcast %broadcast_in_dim3A : f32 to vector<1x1xf32>
      %swap3A_79 = arith.constant 0 : index
      %swap3A_80 = arith.constant 0 : index
      %swap3A_81 = vector.load %arg15[%swap3A_79, %swap3A_80] : memref<1x1xf32, #tpu.memory_space<vmem>>, vector<1x1xf32>
      tpu.vector_store %arg15[%swap3A_79, %swap3A_80], %broadcast_in_dim3A_78 {strides = array<i32>} : memref<1x1xf32, #tpu.memory_space<vmem>>, vector<1x1xf32>,
    } else {
    }
    %get3A = arith.constant 0 : index
    %get3A_2 = arith.constant 0 : index
    %get3A_3 = vector.load %arg1[%get3A, %get3A_2] : memref<2048x64xf32, #tpu.memory_space<vmem>>, vector<2048x64xf32>
    %get3A_4 = arith.constant 0 : index
    %get3A_5 = arith.constant 0 : index
    %get3A_6 = vector.load %arg2[%get3A_4, %get3A_5] : memref<2048x128xf32, #tpu.memory_space<vmem>>, vector<2048x128xf32>
    %slice3A = vector.extract_strided_slice %get3A_6 {offsets = [0, 0], sizes = [2048, 64], strides = [1, 1]} : vector<2048x128xf32> to vector<2048x64xf32>
    %sub3A = arith.subf %slice3A, %get3A_3 : vector<2048x64xf32>
    %get3A_7 = arith.constant 0 : index
    %get3A_8 = arith.constant 0 : index
    %get3A_9 = vector.load %arg15[%get3A_7, %get3A_8] : memref<1x1xf32, #tpu.memory_space<vmem>>, vector<1x1xf32>
    %mul3A = arith.mulf %sub3A, %sub3A : vector<2048x64xf32>
    %reduce_sum3A = vector.shape_cast %mul3A : vector<2048x64xf32> to vector<1x2048x64xf32>
    %reduce_sum3A_10 = arith.constant dense<0.000000e+00> : vector<1xf32>
    %reduce_sum3A_11 = vector.multi_reduction <add>, %reduce_sum3A, %reduce_sum3A_10 [1, 2] : vector<1x2048x64xf32> to vector<1xf32>
    %reduce_sum3A_12 = vector.shape_cast %reduce_sum3A_11 : vector<1xf32> to vector<1x1x1xf32>
    %reduce_sum3A_13 = vector.extract %reduce_sum3A_12[0, 0, 0] : f32 from vector<1x1x1xf32>
    %add3A = vector.broadcast %reduce_sum3A_13 : f32 to vector<1x1xf32>
    %add3A_14 = arith.addf %get3A_9, %add3A : vector<1x1xf32>
    %swap3A = arith.constant 0 : index
    %swap3A_15 = arith.constant 0 : index
    %swap3A_16 = vector.load %arg15[%swap3A, %swap3A_15] : memref<1x1xf32, #tpu.memory_space<vmem>>, vector<1x1xf32>
    tpu.vector_store %arg15[%swap3A, %swap3A_15], %add3A_14 {strides = array<i32>} : memref<1x1xf32, #tpu.memory_space<vmem>>, vector<1x1xf32>,
    %sub3A_17 = arith.subf %slice3A, %get3A_3 : vector<2048x64xf32>
    %add3A_18 = arith.addf %get3A_3, %sub3A_17 : vector<2048x64xf32>
    %convert_element_type3A_19 = arith.truncf %add3A_18 : vector<2048x64xf32> to vector<2048x64xbf16>
    %get3A_20 = arith.constant 0 : index
    %get3A_21 = arith.constant 0 : index
    %get3A_22 = vector.load %arg4[%get3A_20, %get3A_21] : memref<64x256xbf16, #tpu.memory_space<vmem>>, vector<64x256xbf16>
    %dot_general3A = arith.constant dense<0.000000e+00> : vector<2048x256xf32>
    %dot_general3A_23 = tpu.matmul %convert_element_type3A_19, %get3A_22, %dot_general3A {dimension_numbers = #tpu.dot_dimension_numbers<[1], [0], [0], [1], [0, 0, 1, 1], [], []>, transpose_lhs_hint = false} : vector<2048x64xbf16>, vector<64x256xbf16>, vector<2048x256xf32> -> vector<2048x256xf32>
    %get3A_24 = arith.constant 0 : index
    %get3A_25 = arith.constant 0 : index
    %get3A_26 = vector.load %arg5[%get3A_24, %get3A_25] : memref<1x256xf32, #tpu.memory_space<vmem>>, vector<1x256xf32>
    %add3A_27 = vector.broadcast %get3A_26 : vector<1x256xf32> to vector<2048x256xf32>
    %add3A_28 = arith.addf %dot_general3A_23, %add3A_27 : vector<2048x256xf32>
    %max3A = arith.constant 0.000000e+00 : f32
    %max3A_29 = vector.broadcast %max3A : f32 to vector<2048x256xf32>
    %max3A_30 = arith.maximumf %add3A_28, %max3A_29 : vector<2048x256xf32>
    %convert_element_type3A_31 = arith.truncf %max3A_30 : vector<2048x256xf32> to vector<2048x256xbf16>
    %get3A_32 = arith.constant 0 : index
    %get3A_33 = arith.constant 0 : index
    %get3A_34 = vector.load %arg6[%get3A_32, %get3A_33] : memref<256x512xbf16, #tpu.memory_space<vmem>>, vector<256x512xbf16>
    %dot_general3A_35 = arith.constant dense<0.000000e+00> : vector<2048x512xf32>
    %dot_general3A_36 = tpu.matmul %convert_element_type3A_31, %get3A_34, %dot_general3A_35 {dimension_numbers = #tpu.dot_dimension_numbers<[1], [0], [0], [1], [0, 0, 1, 1], [], []>, transpose_lhs_hint = false} : vector<2048x256xbf16>, vector<256x512xbf16>, vector<2048x512xf32> -> vector<2048x512xf32>
    %get3A_37 = arith.constant 0 : index
    %get3A_38 = arith.constant 0 : index
    %get3A_39 = vector.load %arg7[%get3A_37, %get3A_38] : memref<1x512xf32, #tpu.memory_space<vmem>>, vector<1x512xf32>
    %add3A_40 = vector.broadcast %get3A_39 : vector<1x512xf32> to vector<2048x512xf32>
    %add3A_41 = arith.addf %dot_general3A_36, %add3A_40 : vector<2048x512xf32>
    %max3A_42 = arith.constant 0.000000e+00 : f32
    %max3A_43 = vector.broadcast %max3A_42 : f32 to vector<2048x512xf32>
    %max3A_44 = arith.maximumf %add3A_41, %max3A_43 : vector<2048x512xf32>
    %convert_element_type3A_45 = arith.truncf %max3A_44 : vector<2048x512xf32> to vector<2048x512xbf16>
    %get3A_46 = arith.constant 0 : index
    %get3A_47 = arith.constant 0 : index
    %get3A_48 = vector.load %arg8[%get3A_46, %get3A_47] : memref<512x512xbf16, #tpu.memory_space<vmem>>, vector<512x512xbf16>
    %dot_general3A_49 = arith.constant dense<0.000000e+00> : vector<2048x512xf32>
    %dot_general3A_50 = tpu.matmul %convert_element_type3A_45, %get3A_48, %dot_general3A_49 {dimension_numbers = #tpu.dot_dimension_numbers<[1], [0], [0], [1], [0, 0, 1, 1], [], []>, transpose_lhs_hint = false} : vector<2048x512xbf16>, vector<512x512xbf16>, vector<2048x512xf32> -> vector<2048x512xf32>
    %get3A_51 = arith.constant 0 : index
    %get3A_52 = arith.constant 0 : index
    %get3A_53 = vector.load %arg9[%get3A_51, %get3A_52] : memref<1x512xf32, #tpu.memory_space<vmem>>, vector<1x512xf32>
    %add3A_54 = vector.broadcast %get3A_53 : vector<1x512xf32> to vector<2048x512xf32>
    %add3A_55 = arith.addf %dot_general3A_50, %add3A_54 : vector<2048x512xf32>
    %max3A_56 = arith.constant 0.000000e+00 : f32
    %max3A_57 = vector.broadcast %max3A_56 : f32 to vector<2048x512xf32>
    %max3A_58 = arith.maximumf %add3A_55, %max3A_57 : vector<2048x512xf32>
    %convert_element_type3A_59 = arith.truncf %max3A_58 : vector<2048x512xf32> to vector<2048x512xbf16>
    %get3A_60 = arith.constant 0 : index
    %get3A_61 = arith.constant 0 : index
    %get3A_62 = vector.load %arg10[%get3A_60, %get3A_61] : memref<512x128xbf16, #tpu.memory_space<vmem>>, vector<512x128xbf16>
    %dot_general3A_63 = arith.constant dense<0.000000e+00> : vector<2048x128xf32>
    %dot_general3A_64 = tpu.matmul %convert_element_type3A_59, %get3A_62, %dot_general3A_63 {dimension_numbers = #tpu.dot_dimension_numbers<[1], [0], [0], [1], [0, 0, 1, 1], [], []>, transpose_lhs_hint = false} : vector<2048x512xbf16>, vector<512x128xbf16>, vector<2048x128xf32> -> vector<2048x128xf32>
    %get3A_65 = arith.constant 0 : index
    %get3A_66 = arith.constant 0 : index
    %get3A_67 = vector.load %arg11[%get3A_65, %get3A_66] : memref<1x128xf32, #tpu.memory_space<vmem>>, vector<1x128xf32>
    %add3A_68 = vector.broadcast %get3A_67 : vector<1x128xf32> to vector<2048x128xf32>
    %add3A_69 = arith.addf %dot_general3A_64, %add3A_68 : vector<2048x128xf32>
    %swap3A_70 = arith.constant 0 : index
    %swap3A_71 = arith.constant 0 : index
    %swap3A_72 = vector.load %arg12[%swap3A_70, %swap3A_71] : memref<2048x128xf32, #tpu.memory_space<vmem>>, vector<2048x128xf32>
    tpu.vector_store %arg12[%swap3A_70, %swap3A_71], %add3A_69 {strides = array<i32>} : memref<2048x128xf32, #tpu.memory_space<vmem>>, vector<2048x128xf32>,
    %eq3A_73 = arith.constant 7 : i32
    %eq3A_74 = arith.cmpi eq, %arg0, %eq3A_73 : i32
    %convert_element_type3A_75 = arith.extui %eq3A_74 : i1 to i32
    %cond3A_76 = arith.constant 0 : i32
    %cond3A_77 = arith.cmpi ne, %convert_element_type3A_75, %cond3A_76 : i32
    scf.if %cond3A_77 {
      %get3A_78 = arith.constant 0 : index
      %get3A_79 = arith.constant 0 : index
      %get3A_80 = vector.load %arg15[%get3A_78, %get3A_79] : memref<1x1xf32, #tpu.memory_space<vmem>>, vector<1x1xf32>
      %div3A = arith.constant 0x49800000 : f32
      %div3A_81 = vector.broadcast %div3A : f32 to vector<1x1xf32>
      %div3A_82 = arith.divf %get3A_80, %div3A_81 : vector<1x1xf32>
      %mul3A_83 = arith.constant 2.000000e-02 : f32
      %mul3A_84 = vector.broadcast %mul3A_83 : f32 to vector<1x1xf32>
      %mul3A_85 = arith.mulf %mul3A_84, %div3A_82 : vector<1x1xf32>
      %add3A_86 = arith.addf %div3A_82, %mul3A_85 : vector<1x1xf32>
      %swap3A_87 = arith.constant 0 : index
      %swap3A_88 = arith.constant 0 : index
      %swap3A_89 = vector.load %arg13[%swap3A_87, %swap3A_88] : memref<1x1xf32, #tpu.memory_space<vmem>>, vector<1x1xf32>
      tpu.vector_store %arg13[%swap3A_87, %swap3A_88], %add3A_86 {strides = array<i32>} : memref<1x1xf32, #tpu.memory_space<vmem>>, vector<1x1xf32>,
      %get3A_90 = arith.constant 0 : index
      %get3A_91 = arith.constant 0 : index
      %get3A_92 = vector.load %arg3[%get3A_90, %get3A_91] : memref<32x4096xf32, #tpu.memory_space<vmem>>, vector<32x4096xf32>
      %reduce_sum3A_93 = arith.constant dense<0.000000e+00> : vector<4096xf32>
      %reduce_sum3A_94 = vector.multi_reduction <add>, %get3A_92, %reduce_sum3A_93 [0] : vector<32x4096xf32> to vector<4096xf32>
      %broadcast_in_dim3A = vector.shape_cast %reduce_sum3A_94 : vector<4096xf32> to vector<1x4096xf32>
      %div3A_95 = arith.constant 1.638400e+04 : f32
      %div3A_96 = vector.broadcast %div3A_95 : f32 to vector<1x4096xf32>
      %div3A_97 = arith.divf %broadcast_in_dim3A, %div3A_96 : vector<1x4096xf32>
      %add3A_98 = arith.constant 1.000000e-10 : f32
      %add3A_99 = vector.broadcast %add3A_98 : f32 to vector<1x4096xf32>
      %add3A_100 = arith.addf %div3A_97, %add3A_99 : vector<1x4096xf32>
      %log3A = math.log %add3A_100 : vector<1x4096xf32>
      %mul3A_101 = arith.mulf %div3A_97, %log3A : vector<1x4096xf32>
      %reduce_sum3A_102 = vector.shape_cast %mul3A_101 : vector<1x4096xf32> to vector<1x1x4096xf32>
      %reduce_sum3A_103 = arith.constant dense<0.000000e+00> : vector<1xf32>
      %reduce_sum3A_104 = vector.multi_reduction <add>, %reduce_sum3A_102, %reduce_sum3A_103 [1, 2] : vector<1x1x4096xf32> to vector<1xf32>
      %reduce_sum3A_105 = vector.shape_cast %reduce_sum3A_104 : vector<1xf32> to vector<1x1x1xf32>
      %reduce_sum3A_106 = vector.extract %reduce_sum3A_105[0, 0, 0] : f32 from vector<1x1x1xf32>
      %neg3A = arith.constant 0.000000e+00 : f32
      %neg3A_107 = arith.subf %neg3A, %reduce_sum3A_106 : f32
      %exp3A = math.exp %neg3A_107 : f32
      %broadcast_in_dim3A_108 = vector.broadcast %exp3A : f32 to vector<1x1xf32>
      %swap3A_109 = arith.constant 0 : index
      %swap3A_110 = arith.constant 0 : index
      %swap3A_111 = vector.load %arg14[%swap3A_109, %swap3A_110] : memref<1x1xf32, #tpu.memory_space<vmem>>, vector<1x1xf32>
      tpu.vector_store %arg14[%swap3A_109, %swap3A_110], %broadcast_in_dim3A_108 {strides = array<i32>} : memref<1x1xf32, #tpu.memory_space<vmem>>, vector<1x1xf32>,
    } else {
    }
    return
  }
  func.func @transform_0(%arg0: i32) -> (i32, i32) {
    %c0_i32 = arith.constant 0 : i32
    %c0_i32_0 = arith.constant 0 : i32
    return %arg0, %c0_i32 : i32, i32
  }
  func.func @transform_1(%arg0: i32) -> (i32, i32) {
    %c0_i32 = arith.constant 0 : i32
    %c0_i32_0 = arith.constant 0 : i32
    return %arg0, %c0_i32 : i32, i32
  }
  func.func @transform_2(%arg0: i32) -> (i32, i32) {
    %c0_i32 = arith.constant 0 : i32
    %c0_i32_0 = arith.constant 0 : i32
    %c0_i32_1 = arith.constant 0 : i32
    return %c0_i32, %c0_i32_0 : i32, i32
  }
  func.func @transform_3(%arg0: i32) -> (i32, i32) {
    %c0_i32 = arith.constant 0 : i32
    %c0_i32_0 = arith.constant 0 : i32
    %c0_i32_1 = arith.constant 0 : i32
    return %c0_i32, %c0_i32_0 : i32, i32
  }
  func.func @transform_4(%arg0: i32) -> (i32, i32) {
    %c0_i32 = arith.constant 0 : i32
    %c0_i32_0 = arith.constant 0 : i32
    %c0_i32_1 = arith.constant 0 : i32
    return %c0_i32, %c0_i32_0 : i32, i32
  }
  func.func @transform_5(%arg0: i32) -> (i32, i32) {
    %c0_i32 = arith.constant 0 : i32
    %c0_i32_0 = arith.constant 0 : i32
    %c0_i32_1 = arith.constant 0 : i32
    return %c0_i32, %c0_i32_0 : i32, i32
  }
  func.func @transform_6(%arg0: i32) -> (i32, i32) {
    %c0_i32 = arith.constant 0 : i32
    %c0_i32_0 = arith.constant 0 : i32
    %c0_i32_1 = arith.constant 0 : i32
    return %c0_i32, %c0_i32_0 : i32, i32
  }
  func.func @transform_7(%arg0: i32) -> (i32, i32) {
    %c0_i32 = arith.constant 0 : i32
    %c0_i32_0 = arith.constant 0 : i32
    %c0_i32_1 = arith.constant 0 : i32
    return %c0_i32, %c0_i32_0 : i32, i32
  }
  func.func @transform_8(%arg0: i32) -> (i32, i32) {
    %c0_i32 = arith.constant 0 : i32
    %c0_i32_0 = arith.constant 0 : i32
    %c0_i32_1 = arith.constant 0 : i32
    return %c0_i32, %c0_i32_0 : i32, i32
  }
  func.func @transform_9(%arg0: i32) -> (i32, i32) {
    %c0_i32 = arith.constant 0 : i32
    %c0_i32_0 = arith.constant 0 : i32
    %c0_i32_1 = arith.constant 0 : i32
    return %c0_i32, %c0_i32_0 : i32, i32
  }
  func.func @transform_10(%arg0: i32) -> (i32, i32) {
    %c0_i32 = arith.constant 0 : i32
    %c0_i32_0 = arith.constant 0 : i32
    %c0_i32_1 = arith.constant 0 : i32
    return %c0_i32, %c0_i32_0 : i32, i32
  }
  func.func @transform_11(%arg0: i32) -> (i32, i32) {
    %c0_i32 = arith.constant 0 : i32
    %c0_i32_0 = arith.constant 0 : i32
    return %arg0, %c0_i32 : i32, i32
  }
  func.func @transform_12(%arg0: i32) -> (i32, i32) {
    %c0_i32 = arith.constant 0 : i32
    %c0_i32_0 = arith.constant 0 : i32
    %c0_i32_1 = arith.constant 0 : i32
    return %c0_i32, %c0_i32_0 : i32, i32
  }
  func.func @transform_13(%arg0: i32) -> (i32, i32) {
    %c0_i32 = arith.constant 0 : i32
    %c0_i32_0 = arith.constant 0 : i32
    %c0_i32_1 = arith.constant 0 : i32
    return %c0_i32, %c0_i32_0 : i32, i32
  }
}

</mosaic_0001>

<sc_bundles>
// kernel: kernel.5.cloned.1.call-start
scs
__scs_entry_jumppad:
0x0: {  	(pc) =	sbr.rel $0x88, $3  }
0x1: {  	(tag) =	ssettag $0x0;
	lr =	simm.s32 $0x1  }
0x2: {  	[smem:$0x3F8B] =	sst lr;
	_ =	strace $0xD0000000  }
0x3: {  	_ = 	snop  }
0x4: {  	_ = 	snop  }
0x5: {  	_ = 	snop  }
0x6: {  	_ = 	snop  }
0x7: {  	_ = 	snop  }
__scs_overlays_trampoline_lowered:
0x8: {  	[smem:$0x3F9A] =	sst s0  }
0x9: {  	[smem:$0x3F9B] =	sst s1  }
0xa: {  	[smem:$0x3F9C] =	sst s2  }
0xb: {  	[smem:$0x3F9D] =	sst s3  }
0xc: {  	[smem:$0x3F9E] =	sst s4  }
0xd: {  	[smem:$0x3F9F] =	sst s5  }
0xe: {  	[smem:$0x3FA0] =	sst s6  }
0xf: {  	[smem:$0x3FA1] =	sst s7  }
0x10: {  	[smem:$0x3FA2] =	sst s8  }
0x11: {  	[smem:$0x3FA3] =	sst s9;
	s0 =	simm.s32 @!p0 $0x0  }
0x12: {  	s1 =	sld [smem:$0x3F89];
	s0 =	simm.s32 @p0 $0x1  }
0x13: {  	[smem:$0x3FA4] =	sst s0;
	s0 =	simm.s32 @!p1 $0x0  }
0x14: {  	s2 =	sld [smem:$0x3F88];
	s0 =	simm.s32 @p1 $0x1  }
0x15: {  	[smem:$0x3FA5] =	sst s0;
	s0 =	simm.s32 @!p2 $0x0  }
0x16: {  	s3 =	sld [smem:$0x3FDB];
	s0 =	simm.s32 @p2 $0x1  }
0x17: {  	s4 =	simm.s32 $0x1BF5;
	[smem:$0x3FA7] =	sst s0  }
0x18: {  	s0 =	sld [smem:$0x3F8A];
	_ =	swait.ge [sflag:s4], $0x0  }
0x19: {  	s7 =	sld [smem:$0x3F8B]  }
0x1a: {  	s8 =	sadd.s32 $0xFFFFE003, lr  }
0x1b: {  	s9 =	sadd.s32 $0xFFFFFEF7, lr;
	s5 =	simm.s32 $0xFFFFFFFF;
	p2 =	slt.u32 s8, $0xFFFFF086  }
0x1c: {  	p1 =	slt.u32 s9, $0xF7A;
	s5 =	simm.s32 @!p2 $0x0  }
0x1d: {  	s5 =	simm.s32 @p1 $0x1;
	p0 =	seq.s32 s7, s2  }
0x1e: {  	s7 =	smul.u32 @!p0 $0xF7A, s2;
	p2 =	seq.s32 @!p0 s5, $0x0  }
0x1f: {  	s9 =	smul.u32 $0xF7A, s1;
	s8 =	simm.s32 @!p0 $0x1BF5;
	p2 =	por !p2, p0  }
0x20: {  	[sflag:s8] =	ssyncset.s32 @!p0 $0xFFFFF086;
	s6 =	sadd.s32 @!p0 s3, s7;
	s7 =	simm.s32 @!p0 $0x108  }
0x21: {  	s3 =	sadd.s32 s3, s9;
	s6 =	sadd.s32 @!p0 $0x88, s6;
	s7 =	simm.s32 @p2 $0x1082  }
0x22: {  	[simem:s7], [sflag:s8] =	dma.local @!p0 [hbm:s6], $0xF7A  }
0x23: {  	s9 =	sor.u32 $0xD0000000, s2;
	s6 =	simm.s32 $0x108;
	_ =	swait.ge @!p0 [sflag:s8], $0x0  }
0x24: {  	s3 =	sadd.s32 $0x88, s3;
	s6 =	simm.s32 @!p1 $0x1082;
	[sflag:s4] =	ssyncset.s32 $0xFFFFF086  }
0x25: {  	[simem:s6], [sflag:s4] =	dma.local [hbm:s3], $0xF7A  }
0x26: {  	[smem:$0x3F8B] =	sst s1;
	(tag) =	ssettag s2;
	_ =	strace s9  }
0x27: {  	s1 =	sld [smem:$0x3F9B]  }
0x28: {  	s2 =	sld [smem:$0x3F9C]  }
0x29: {  	s4 =	sld [smem:$0x3F9E]  }
0x2a: {  	p0 =	seq.s32 s5, $0x0;
	s5 =	sld [smem:$0x3F9F]  }
0x2b: {  	s6 =	sld [smem:$0x3FA0]  }
0x2c: {  	s7 =	sld [smem:$0x3FA1]  }
0x2d: {  	s3 =	simm.s32 $0x108;
	s8 =	sld [smem:$0x3FA2]  }
0x2e: {  	s3 =	simm.s32 @!p0 $0x1082;
	s9 =	sld [smem:$0x3FA3]  }
0x2f: {  	lr =	sadd.s32 s0, s3;
	s0 =	sld [smem:$0x3F9A]  }
0x30: {  	s3 =	sld [smem:$0x3F9D]  }
0x31: {  	[smem:$0x3FA6] =	sst s10  }
0x32: {  	s10 =	sld [smem:$0x3FA4];
	_ =	sdelay $0x3  }
0x33: {  	p0 =	seq.s32 s10, $0x1;
	s10 =	sld [smem:$0x3FA6];
	_ =	sdelay $0x3  }
0x34: {  	[smem:$0x3FA6] =	sst s10  }
0x35: {  	s10 =	sld [smem:$0x3FA5];
	_ =	sdelay $0x3  }
0x36: {  	p1 =	seq.s32 s10, $0x1;
	s10 =	sld [smem:$0x3FA6];
	_ =	sdelay $0x3  }
0x37: {  	[smem:$0x3FA6] =	sst s10  }
0x38: {  	s10 =	sld [smem:$0x3FA7]  }
0x39: {  	_ = 	snop;
	(pc) =	sbr.ind lr, $3  }
0x3a: {  	_ = 	snop  }
0x3b: {  	_ = 	snop  }
0x3c: {  	p2 =	seq.s32 s10, $0x1;
	s10 =	sld [smem:$0x3FA6]  }
0x3d: {  	_ =	shalt  }
0x3e: {  	_ =	shalt  }
0x3f: {  	_ =	shalt  }
0x40: {  	_ =	shalt  }
0x41: {  	_ =	shalt  }
0x42: {  	_ =	shalt  }
0x43: {  	_ =	shalt  }
0x44: {  	_ =	shalt  }
0x45: {  	_ =	shalt  }
0x46: {  	_ =	shalt  }
0x47: {  	_ =	shalt  }
0x48: {  	_ =	shalt  }
0x49: {  	_ =	shalt  }
0x4a: {  	_ =	shalt  }
0x4b: {  	_ =	shalt  }
0x4c: {  	_ =	shalt  }
0x4d: {  	_ =	shalt  }
0x4e: {  	_ =	shalt  }
0x4f: {  	_ =	shalt  }
0x50: {  	_ =	shalt  }
0x51: {  	_ =	shalt  }
0x52: {  	_ =	shalt  }
0x53: {  	_ =	shalt  }
0x54: {  	_ =	shalt  }
0x55: {  	_ =	shalt  }
0x56: {  	_ =	shalt  }
0x57: {  	_ =	shalt  }
0x58: {  	_ =	shalt  }
0x59: {  	_ =	shalt  }
0x5a: {  	_ =	shalt  }
0x5b: {  	_ =	shalt  }
0x5c: {  	_ =	shalt  }
0x5d: {  	_ =	shalt  }
0x5e: {  	_ =	shalt  }
0x5f: {  	_ =	shalt  }
0x60: {  	_ =	shalt  }
0x61: {  	_ =	shalt  }
0x62: {  	_ =	shalt  }
0x63: {  	_ =	shalt  }
0x64: {  	_ =	shalt  }
0x65: {  	_ =	shalt  }
0x66: {  	_ =	shalt  }
0x67: {  	_ =	shalt  }
0x68: {  	_ =	shalt  }
0x69: {  	_ =	shalt  }
0x6a: {  	_ =	shalt  }
0x6b: {  	_ =	shalt  }
0x6c: {  	_ =	shalt  }
0x6d: {  	_ =	shalt  }
0x6e: {  	_ =	shalt  }
0x6f: {  	_ =	shalt  }
0x70: {  	_ =	shalt  }
0x71: {  	_ =	shalt  }
0x72: {  	_ =	shalt  }
0x73: {  	_ =	shalt  }
0x74: {  	_ =	shalt  }
0x75: {  	_ =	shalt  }
0x76: {  	_ =	shalt  }
0x77: {  	_ =	shalt  }
0x78: {  	_ =	shalt  }
0x79: {  	_ =	shalt  }
0x7a: {  	_ =	shalt  }
0x7b: {  	_ =	shalt  }
0x7c: {  	_ =	shalt  }
0x7d: {  	_ =	shalt  }
0x7e: {  	_ =	shalt  }
0x7f: {  	_ =	shalt  }
0x80: {  	_ =	shalt  }
0x81: {  	_ =	shalt  }
0x82: {  	_ =	shalt  }
0x83: {  	_ =	shalt  }
0x84: {  	_ =	shalt  }
0x85: {  	_ =	shalt  }
0x86: {  	_ =	shalt  }
0x87: {  	_ =	shalt  }
.Lfunc_end0:
.L_simem_size_0:
called_computation_lowered:
.L_overlay_start_0:
0x88: {  	s2 =	sld [smem:$0x3FD9]  }
0x89: {  	s3 =	sld [smem:$0x3FFE];
	_ =	sdelay $0x1  }
0x8a: {  	s1 =	srdreg.scid  }
0x8b: {  	s0 =	sand.u32 $0x1, s1  }
0x8c: {  	s14 =	sshll.u32 s0, $0xA;
	s2 =	sadd.s32 s3, s2  }
0x8d: {  	s2 =	sadd.s32 s2, s14  }
0x8e: {  	[smem:$0x3FB2] =	sst s2  }
0x8f: {  	_ = 	snop  }
0x90: {  	s2 =	sld [smem:$0x3FD0];
	_ =	sdelay $0x2  }
0x91: {  	s15 =	simm.s32 $0xA;
	s4 =	simm.s32 $0x10  }
0x92: {  	[smem:s4], [sflag:s15] =	dma.local [hbm:s2], $0x1  }
0x93: {  	_ =	swait.eq [sflag:s15], $0x1  }
0x94: {  	[sflag:s15] =	ssyncset.done $0x0  }
0x95: {  	[sflag:s15] =	ssyncadd.s32 $0xFFFFFFFF  }
0x96: {  	s16 =	sld [smem:$0x11];
	(tm) =	ssettm $0x1  }
0x97: {  	s17 =	sld [smem:$0x3FFB];
	_ =	sdelay $0x3  }
0x98: {  	_ =	strace s17  }
0x99: {  	s3 =	sld [smem:$0x3FFC];
	_ =	sdelay $0x3  }
0x9a: {  	_ =	strace s3  }
0x9b: {  	s3 =	sld [smem:$0x3FFD];
	_ =	sdelay $0x3  }
0x9c: {  	_ =	strace s3  }
0x9d: {  	_ =	strace $0x8FFFFFFF  }
0x9e: {  	s18 =	sld [smem:$0x3FDB];
	_ =	sdelay $0x1  }
0x9f: {  	s19 =	simm.s32 $_scs_section_size  }
0xa0: {  	s5 =	simm.s32 $_size__tile_overlayer_lowered;
	s6 =	simm.s32 $_tile_overlayer_lowered  }
0xa1: {  	s22 =	simm.s32 $0x1BFF;
	s21 =	sshll.u32 s6, $0x1;
	s3 =	sadd.s32 s19, s18  }
0xa2: {  	s7 =	simm.s32 $0x0;
	s20 =	sshll.u32 s5, $0x1;
	s5 =	sadd.s32 s21, s3  }
0xa3: {  	[timem:s7], [sflag:s22] =	dma.local [hbm:s5], s20  }
0xa4: {  	_ =	swait.ge [sflag:s22], s20  }
0xa5: {  	s4 =	ssub.s32 $0x0, s20;
	[sflag:s22] =	ssyncset.done $0x0  }
0xa6: {  	[sflag:s22] =	ssyncadd.s32 s4;
	_ =	sdelay $0x1  }
0xa7: {  	s23 =	simm.s32 $0x1B8B  }
0xa8: {  	_ =	swait.ge [sflag:s23], $0x1  }
0xa9: {  	[sflag:s23] =	ssyncset.done $0x0  }
0xaa: {  	s25 =	simm.s32 $0x1B8E;
	s24 =	sld [smem:$0x3FFE];
	[sflag:s23] =	ssyncadd.s32 $0xFFFFFFFF  }
0xab: {  	s26 =	simm.s32 $execute0_lowered;
	[smem:$0x3FD2] =	sst s25  }
0xac: {  	s5 =	sshll.u32 s26, $0x1;
	_ =	strace $0x80000046;
	[dreg:$0x1] =	wrdreg $0xFFFFFFFF  }
0xad: {  	s28 =	simm.s32 $_size_execute0_lowered;
	s3 =	sadd.s32 s3, s5;
	[dreg:$0x0] =	wrdreg $0x0  }
0xae: {  	s5 =	sshll.u32 s28, $0x1;
	[dreg:$0x2] =	wrdreg s3  }
0xaf: {  	[dreg:$0x3] =	wrdreg s5  }
0xb0: {  	[dreg:$0x4] =	wrdreg $0xC0  }
0xb1: {  	_ =	task [dreg:s7], $0x5FFFF  }
0xb2: {  	[dreg:$0x1] =	wrdreg $0xFFFFFFFF  }
0xb3: {  	[dreg:$0x0] =	wrdreg $0x60  }
0xb4: {  	[dreg:$0x2] =	wrdreg s24  }
0xb5: {  	[dreg:$0x3] =	wrdreg s16  }
0xb6: {  	[dreg:$0x4] =	wrdreg $0x9  }
0xb7: {  	_ =	task.clear_ibuf [dreg:s7], $0x5FFFF;
	_ =	strace $0x90000046  }
0xb8: {  	s29 =	simm.s32 $0x9;
	_ =	strace $0x80000048  }
0xb9: {  	_ =	swait.ge [sflag:s29], $0x1  }
0xba: {  	[sflag:s29] =	ssyncadd.s32 $0xFFFFFFFF  }
0xbb: {  	_ =	strace $0x90000048  }
0xbc: {  	_ =	sfence  }
0xbd: {  	s30 =	sld [smem:$0x0];
	_ =	sdelay $0x2  }
0xbe: {  	s31 =	sshll.u32 s1, $0xD;
	s1 =	sshrl.u32 s1, $0x2  }
0xbf: {  	s3 =	sand.u32 $0x4000, s31;
	s1 =	sadd.s32 s1, s30  }
0xc0: {  	s0 =	sor.u32 s3, s0;
	s1 =	sshll.u32 s1, $0x11  }
0xc1: {  	s0 =	sor.u32 s1, s0  }
0xc2: {  	s0 =	sadd.s32 $0x8F2B, s0  }
0xc3: {  	[sflag:s0] =	ssyncadd.remote.s32 $0x1  }
0xc4: {  	_ =	sfence.sel $0xFFFF  }
0xc5: {  	[dreg:$0x0] =	wrdreg $0xFFFFFFFF;
	(pc) =	sbr.abs _section_cstart, $3  }
0xc6: {  	[dreg:$0x1] =	wrdreg $0xFFFFFFFF  }
0xc7: {  	_ =	task.clear_ibuf [dreg:s7], $0x2FFFF;
	_ =	strace $0x9FFFFFFF  }
0xc8: {  	(tm) =	ssettm $0x7FFFFFFF  }
0xc9: {  	_ =	shalt  }
tec
execute0_lowered:
.L_overlay_start_1:
0x0: {  	(tag) =	ssettag $0x1  }
0x1: {  	s0 =	rddreg [dreg:$0x0];
	v0 =	vimm.s32 $0x8380;
	vm0 =	vcmask $0x300  }
0x2: {  	s2 =	rddreg [dreg:$0x1];
	vm14 =	vcmask $0x704;
	s1 =	simm.s32 $0x0;
	v0 =	vsel vm0, $0x0, v0  }
0x3: {  	s3 =	srdreg.scid;
	vm15 =	vcmask $0xB08;
	s9 =	stileid.u32;
	s11 =	simm.s32 $0x3;
	v0 =	vsel vm14, $0x80, v0  }
0x4: {  	vm4 =	vcmask $0xF0C;
	s12 =	simm.s32 $0x80;
	s13 =	simm.s32 $0x200;
	s14 =	simm.s32 $0x4200;
	v0 =	vsel vm15, $0x100, v0  }
0x5: {  	vm5 =	vcmask $0x1310;
	s15 =	simm.s32 $0x1;
	s17 =	simm.s32 $0x2;
	s19 =	simm.s32 $0x8200;
	v0 =	vsel vm4, $0x180, v0  }
0x6: {  	vm6 =	vcmask $0x1714;
	[smem:$0x7FF] =	sst s1;
	s4 =	sand.u32 $0x1, s3;
	s3 =	sadd.s32 $0x3600, s0;
	v0 =	vsel vm5, $0x200, v0  }
0x7: {  	vm7 =	vcmask $0x1B18;
	s6 =	sshll.u32 s9, $0xA;
	s8 =	sshll.u32 s9, $0x1;
	s24 =	sshll.u32 s9, $0x7;
	v0 =	vsel vm6, $0x280, v0  }
0x8: {  	vm8 =	vcmask $0x1F1C;
	_ =	strace $0x80000047;
	s5 =	sshll.u32 s4, $0x6;
	s6 =	sand.u32 $0x3000, s6;
	v0 =	vsel vm7, $0x300, v0  }
0x9: {  	vm9 =	vcmask $0x2320;
	s7 =	ssub.s32 $0x2, s4;
	s8 =	sor.u32 s4, s8;
	s5 =	sadd.s32 s5, s0;
	v0 =	vsel vm8, $0x380, v0  }
0xa: {  	vm10 =	vcmask $0x2724;
	s0 =	sadd.s32 s6, s0;
	s25 =	sshll.u32 s8, $0xD;
	s5 =	sadd.s32 s24, s5;
	v0 =	vsel vm9, $0x8000, v0  }
0xb: {  	vm11 =	vcmask $0x2B28;
	s23 =	sshrl.u32 s7, $0x1;
	s4 =	sadd.s32 s2, s25;
	s5 =	sadd.s32 $0x13600, s5;
	v0 =	vsel vm10, $0x8080, v0  }
0xc: {  	vm12 =	vcmask $0x2F2C;
	s26 =	sshll.u32 s8, $0x4;
	s28 =	sadd.s32 $0x800, s4;
	[dreg:$0x3] =	wrdreg s5;
	v0 =	vsel vm11, $0x8100, v0  }
0xd: {  	vm13 =	vcmask $0x3330;
	s6 =	ssub.s32 s7, s23;
	s29 =	sadd.s32 $0x1000, s4;
	[dreg:$0x4] =	wrdreg s28;
	v0 =	vsel vm12, $0x8180, v0  }
0xe: {  	vm14 =	vcmask $0x3734;
	s2 =	sand.u32 $0x70, s26;
	s30 =	sadd.s32 $0x1800, s4;
	[dreg:$0x5] =	wrdreg s29;
	v0 =	vsel vm13, $0x8200, v0  }
0xf: {  	vm15 =	vcmask $0x3B38;
	s0 =	sadd.s32 s2, s0;
	s31 =	smax.u32 s6, $0x1;
	[dreg:$0x6] =	wrdreg s30;
	v1 =	vsel vm14, $0x8280, v0  }
0x10: {  	v2 =	vimm.f32 $1.000000000e+00;
	s20 =	simm.s32 $0x0;
	s9 =	sadd.s32 $0x13E00, s0;
	[dreg:$0x7] =	wrdreg s31;
	v0 =	vimm.f32 $0.0e+00;
	v1 =	vsel vm15, $0x8300, v1  }
.LBB2_1:
0x11: {  	s0 =	rddreg [dreg:$0x3]  }
0x12: {  	[tilespmem:s1], [sflag:$0x3] =	stream.linear.gather [hbm4b:s0+s1], $0x200, $0x38;
	[tilespmem:$0x18200] =	vst v63  }
0x13: {  	_ =	swait.ge [sflag:s11], $0x200  }
0x14: {  	s31 =	sand.u32 $0x70, s1;
	s2 =	sand.u32 $0x7C00, s1;
	[sflag:s11] =	ssyncset.done $0x0  }
0x15: {  	s0 =	sor.u32 s31, s2;
	[sflag:s11] =	ssyncadd.s32 $0xFFFFFE00  }
0x16: {  	[tilespmem:s0+$0x8280] =	vst v0  }
0x17: {  	[tilespmem:s0+$0x8300] =	vst v0  }
0x18: {  	s7 =	sand.u32 $0x7, s1;
	[tilespmem:s0+$0x8380] =	vst v0  }
0x19: {  	s5 =	simm.s32 $0x10;
	s6 =	simm.s32 $0x0;
	s2 =	simm.s32 $0x0;
	[tilespmem:s0+$0x8400] =	vst v0  }
.LBB2_2:
0x1a: {  	p0 =	sne.s32 s5, $0xFF0;
	s7 =	sshll.u32 s7, $0x4;
	[tilespmem:s0+$0x8480] =	vst v0  }
0x1b: {  	s7 =	sadd.s32 s7, s2;
	[tilespmem:s0+$0x8500] =	vst v0  }
0x1c: {  	[tilespmem:s0+$0x8200] =	vst v0;
	s7 =	sor.u32 $0x380, s7  }
0x1d: {  	[tilespmem:s7+$0x8200] =	vst v0  }
0x1e: {  	[tilespmem:s0+$0x10200] =	vst v0  }
0x1f: {  	[tilespmem:s0+$0x10280] =	vst v0  }
0x20: {  	[tilespmem:s0+$0x10300] =	vst v0  }
0x21: {  	[tilespmem:s0+$0x10380] =	vst v0  }
0x22: {  	[tilespmem:s0+$0x10400] =	vst v0  }
0x23: {  	s2 =	sadd.s32 $0x80, s2;
	[tilespmem:s0+$0x10480] =	vst v0  }
0x24: {  	s8 =	sand.u32 $0x7C00, s2;
	s7 =	sand.u32 $0x70, s5;
	[tilespmem:s0+$0x10500] =	vst v0  }
.Ltmp0:
0x25: {  	[tilespmem:s0+$0x10580] =	vst v0;
	s0 =	sor.u32 s7, s8;
	(pc) =	sbr.rel @p0 .LBB2_2-.Ltmp0, $4  }
0x26: {  	[tilespmem:s0+$0x8280] =	vst v0  }
0x27: {  	[tilespmem:s0+$0x8300] =	vst v0  }
0x28: {  	s6 =	sadd.s32 $0x1, s6;
	[tilespmem:s0+$0x8380] =	vst v0  }
0x29: {  	s5 =	sadd.s32 $0x10, s5;
	s7 =	sand.u32 $0x7, s6;
	[tilespmem:s0+$0x8400] =	vst v0  }
0x2a: {  	s5 =	sshll.u32 s7, $0x4;
	[tilespmem:s0+$0x8480] =	vst v0  }
0x2b: {  	[tilespmem:s0+$0x8500] =	vst v0;
	s2 =	sadd.s32 s5, s2  }
0x2c: {  	[tilespmem:s0+$0x8200] =	vst v0;
	s2 =	sor.u32 $0x380, s2  }
0x2d: {  	[tilespmem:s2+$0x8200] =	vst v0  }
0x2e: {  	[tilespmem:s0+$0x10200] =	vst v0  }
0x2f: {  	[tilespmem:s0+$0x10280] =	vst v0  }
0x30: {  	[tilespmem:s0+$0x10300] =	vst v0  }
0x31: {  	[tilespmem:s0+$0x10380] =	vst v0  }
0x32: {  	[tilespmem:s0+$0x10400] =	vst v0  }
0x33: {  	[tilespmem:s0+$0x10480] =	vst v0  }
0x34: {  	[tilespmem:s0+$0x10500] =	vst v0  }
0x35: {  	s8 =	simm.s32 $0x0;
	[tilespmem:s0+$0x10580] =	vst v0  }
0x36: {  	[tilespmem:s13], [sflag:$0x1] =	stream.indirect.gather [hbm4b:s3+s12], $0x80, s8, s12, $0xb8;
	[tilespmem:$0x18200] =	vst v63  }
0x37: {  	_ = 	snop  }
0x38: {  	[tilespmem:s14], [sflag:$0x2] =	stream.indirect.gather [hbm4b:s3+s12], $0x80, s12, s12, $0xb8;
	[tilespmem:$0x18200] =	vst v63  }
0x39: {  	_ =	swait.ge [sflag:s15], $0x4000  }
0x3a: {  	[sflag:s15] =	ssyncset.done $0x0  }
0x3b: {  	[sflag:s15] =	ssyncadd.s32 $0xFFFFC000  }
0x3c: {  	[hbm4b:s4+s8] =	stream.linear.scatter [tilespmem:s13], [sflag:$0x3], $0x4000, $0x38;
	[tilespmem:$0x18200] =	vst v63  }
0x3d: {  	_ =	swait.ge [sflag:s11], $0x4000  }
0x3e: {  	[sflag:s11] =	ssyncset.done $0x0  }
0x3f: {  	s10 =	simm.s32 $0x100;
	[sflag:s11] =	ssyncadd.s32 $0xFFFFC000  }
0x40: {  	[tilespmem:s13], [sflag:$0x1] =	stream.indirect.gather [hbm4b:s3+s12], $0x80, s10, s12, $0xb8;
	[tilespmem:$0x18200] =	vst v63  }
0x41: {  	_ =	swait.ge [sflag:s17], $0x4000  }
0x42: {  	[sflag:s17] =	ssyncset.done $0x0  }
0x43: {  	s16 =	rddreg [dreg:$0x4];
	[sflag:s17] =	ssyncadd.s32 $0xFFFFC000  }
0x44: {  	[hbm4b:s16+s8] =	stream.linear.scatter [tilespmem:s14], [sflag:$0x3], $0x4000, $0x38;
	[tilespmem:$0x18200] =	vst v63  }
0x45: {  	_ =	swait.ge [sflag:s11], $0x4000  }
0x46: {  	[sflag:s11] =	ssyncset.done $0x0  }
0x47: {  	s18 =	simm.s32 $0x180;
	[sflag:s11] =	ssyncadd.s32 $0xFFFFC000  }
0x48: {  	[tilespmem:s14], [sflag:$0x2] =	stream.indirect.gather [hbm4b:s3+s12], $0x80, s18, s12, $0xb8;
	[tilespmem:$0x18200] =	vst v63  }
0x49: {  	_ =	swait.ge [sflag:s15], $0x4000  }
0x4a: {  	[sflag:s15] =	ssyncset.done $0x0  }
0x4b: {  	s21 =	rddreg [dreg:$0x5];
	[sflag:s15] =	ssyncadd.s32 $0xFFFFC000  }
0x4c: {  	[hbm4b:s21+s8] =	stream.linear.scatter [tilespmem:s13], [sflag:$0x3], $0x4000, $0x38;
	[tilespmem:$0x18200] =	vst v63  }
0x4d: {  	_ =	swait.ge [sflag:s11], $0x4000  }
0x4e: {  	[sflag:s11] =	ssyncset.done $0x0  }
0x4f: {  	[sflag:s11] =	ssyncadd.s32 $0xFFFFC000  }
0x50: {  	_ =	swait.ge [sflag:s17], $0x4000  }
0x51: {  	[sflag:s17] =	ssyncset.done $0x0  }
0x52: {  	s22 =	rddreg [dreg:$0x6];
	[sflag:s17] =	ssyncadd.s32 $0xFFFFC000  }
0x53: {  	[hbm4b:s22+s8] =	stream.linear.scatter [tilespmem:s14], [sflag:$0x3], $0x4000, $0x38;
	[tilespmem:$0x18200] =	vst v63  }
0x54: {  	_ =	swait.ge [sflag:s11], $0x4000  }
0x55: {  	[sflag:s11] =	ssyncset.done $0x0  }
0x56: {  	[sflag:s11] =	ssyncadd.s32 $0xFFFFC000  }
0x57: {  	v3 =	vld [tilespmem:$0x0];
	_ =	sdelay $0x4  }
0x58: {  	v4 =	vshll.u32 v3, $0x3  }
0x59: {  	v3 =	vand.u32 $0x7F, v3;
	v4 =	vand.u32 $0xFFFFFC00, v4  }
0x5a: {  	v3 =	vor.u32 v3, v4  }
0x5b: {  	v3 =	vadd.s32 v1, v3;
	_ =	sdelay $0x4  }
0x5c: {  	[tilespmem:v3+s19+$0x0] =	vst.idx.add.f32.msk $0xffff, v2  }
0x5d: {  	v3 =	vld [tilespmem:$0x10];
	_ =	sdelay $0x4  }
0x5e: {  	v4 =	vshll.u32 v3, $0x3  }
0x5f: {  	v3 =	vand.u32 $0x7F, v3;
	v4 =	vand.u32 $0xFFFFFC00, v4  }
0x60: {  	v3 =	vor.u32 v3, v4  }
0x61: {  	v3 =	vadd.s32 v1, v3;
	_ =	sdelay $0x4  }
0x62: {  	[tilespmem:v3+s19+$0x0] =	vst.idx.add.f32.msk $0xffff, v2  }
0x63: {  	v3 =	vld [tilespmem:$0x20];
	_ =	sdelay $0x4  }
0x64: {  	v4 =	vshll.u32 v3, $0x3  }
0x65: {  	v3 =	vand.u32 $0x7F, v3;
	v4 =	vand.u32 $0xFFFFFC00, v4  }
0x66: {  	v3 =	vor.u32 v3, v4  }
0x67: {  	v3 =	vadd.s32 v1, v3;
	_ =	sdelay $0x4  }
0x68: {  	[tilespmem:v3+s19+$0x0] =	vst.idx.add.f32.msk $0xffff, v2  }
0x69: {  	v3 =	vld [tilespmem:$0x30];
	_ =	sdelay $0x4  }
0x6a: {  	v4 =	vshll.u32 v3, $0x3  }
0x6b: {  	v3 =	vand.u32 $0x7F, v3;
	v4 =	vand.u32 $0xFFFFFC00, v4  }
0x6c: {  	v3 =	vor.u32 v3, v4  }
0x6d: {  	v3 =	vadd.s32 v1, v3;
	_ =	sdelay $0x4  }
0x6e: {  	[tilespmem:v3+s19+$0x0] =	vst.idx.add.f32.msk $0xffff, v2  }
0x6f: {  	v3 =	vld [tilespmem:$0x40];
	_ =	sdelay $0x4  }
0x70: {  	v4 =	vshll.u32 v3, $0x3  }
0x71: {  	v3 =	vand.u32 $0x7F, v3;
	v4 =	vand.u32 $0xFFFFFC00, v4  }
0x72: {  	v3 =	vor.u32 v3, v4  }
0x73: {  	v3 =	vadd.s32 v1, v3;
	_ =	sdelay $0x4  }
0x74: {  	[tilespmem:v3+s19+$0x0] =	vst.idx.add.f32.msk $0xffff, v2  }
0x75: {  	v3 =	vld [tilespmem:$0x50];
	_ =	sdelay $0x4  }
0x76: {  	v4 =	vshll.u32 v3, $0x3  }
0x77: {  	v3 =	vand.u32 $0x7F, v3;
	v4 =	vand.u32 $0xFFFFFC00, v4  }
0x78: {  	v3 =	vor.u32 v3, v4  }
0x79: {  	v3 =	vadd.s32 v1, v3;
	_ =	sdelay $0x4  }
0x7a: {  	[tilespmem:v3+s19+$0x0] =	vst.idx.add.f32.msk $0xffff, v2  }
0x7b: {  	v3 =	vld [tilespmem:$0x60];
	_ =	sdelay $0x4  }
0x7c: {  	v4 =	vshll.u32 v3, $0x3  }
0x7d: {  	v3 =	vand.u32 $0x7F, v3;
	v4 =	vand.u32 $0xFFFFFC00, v4  }
0x7e: {  	v3 =	vor.u32 v3, v4  }
0x7f: {  	v3 =	vadd.s32 v1, v3;
	_ =	sdelay $0x4  }
0x80: {  	[tilespmem:v3+s19+$0x0] =	vst.idx.add.f32.msk $0xffff, v2  }
0x81: {  	v3 =	vld [tilespmem:$0x70];
	_ =	sdelay $0x4  }
0x82: {  	v4 =	vshll.u32 v3, $0x3  }
0x83: {  	v3 =	vand.u32 $0x7F, v3;
	v4 =	vand.u32 $0xFFFFFC00, v4  }
0x84: {  	v3 =	vor.u32 v3, v4  }
0x85: {  	v3 =	vadd.s32 v1, v3;
	_ =	sdelay $0x4  }
0x86: {  	[tilespmem:v3+s19+$0x0] =	vst.idx.add.f32.msk $0xffff, v2  }
0x87: {  	v3 =	vld [tilespmem:$0x80];
	_ =	sdelay $0x4  }
0x88: {  	v4 =	vshll.u32 v3, $0x3  }
0x89: {  	v3 =	vand.u32 $0x7F, v3;
	v4 =	vand.u32 $0xFFFFFC00, v4  }
0x8a: {  	v3 =	vor.u32 v3, v4  }
0x8b: {  	v3 =	vadd.s32 v1, v3;
	_ =	sdelay $0x4  }
0x8c: {  	[tilespmem:v3+s19+$0x0] =	vst.idx.add.f32.msk $0xffff, v2  }
0x8d: {  	v3 =	vld [tilespmem:$0x90];
	_ =	sdelay $0x4  }
0x8e: {  	v4 =	vshll.u32 v3, $0x3  }
0x8f: {  	v3 =	vand.u32 $0x7F, v3;
	v4 =	vand.u32 $0xFFFFFC00, v4  }
0x90: {  	v3 =	vor.u32 v3, v4  }
0x91: {  	v3 =	vadd.s32 v1, v3;
	_ =	sdelay $0x4  }
0x92: {  	[tilespmem:v3+s19+$0x0] =	vst.idx.add.f32.msk $0xffff, v2  }
0x93: {  	v3 =	vld [tilespmem:$0xA0];
	_ =	sdelay $0x4  }
0x94: {  	v4 =	vshll.u32 v3, $0x3  }
0x95: {  	v3 =	vand.u32 $0x7F, v3;
	v4 =	vand.u32 $0xFFFFFC00, v4  }
0x96: {  	v3 =	vor.u32 v3, v4  }
0x97: {  	v3 =	vadd.s32 v1, v3;
	_ =	sdelay $0x4  }
0x98: {  	[tilespmem:v3+s19+$0x0] =	vst.idx.add.f32.msk $0xffff, v2  }
0x99: {  	v3 =	vld [tilespmem:$0xB0];
	_ =	sdelay $0x4  }
0x9a: {  	v4 =	vshll.u32 v3, $0x3  }
0x9b: {  	v3 =	vand.u32 $0x7F, v3;
	v4 =	vand.u32 $0xFFFFFC00, v4  }
0x9c: {  	v3 =	vor.u32 v3, v4  }
0x9d: {  	v3 =	vadd.s32 v1, v3;
	_ =	sdelay $0x4  }
0x9e: {  	[tilespmem:v3+s19+$0x0] =	vst.idx.add.f32.msk $0xffff, v2  }
0x9f: {  	v3 =	vld [tilespmem:$0xC0];
	_ =	sdelay $0x4  }
0xa0: {  	v4 =	vshll.u32 v3, $0x3  }
0xa1: {  	v3 =	vand.u32 $0x7F, v3;
	v4 =	vand.u32 $0xFFFFFC00, v4  }
0xa2: {  	v3 =	vor.u32 v3, v4  }
0xa3: {  	v3 =	vadd.s32 v1, v3;
	_ =	sdelay $0x4  }
0xa4: {  	[tilespmem:v3+s19+$0x0] =	vst.idx.add.f32.msk $0xffff, v2  }
0xa5: {  	v3 =	vld [tilespmem:$0xD0];
	_ =	sdelay $0x4  }
0xa6: {  	v4 =	vshll.u32 v3, $0x3  }
0xa7: {  	v3 =	vand.u32 $0x7F, v3;
	v4 =	vand.u32 $0xFFFFFC00, v4  }
0xa8: {  	v3 =	vor.u32 v3, v4  }
0xa9: {  	v3 =	vadd.s32 v1, v3;
	_ =	sdelay $0x4  }
0xaa: {  	[tilespmem:v3+s19+$0x0] =	vst.idx.add.f32.msk $0xffff, v2  }
0xab: {  	v3 =	vld [tilespmem:$0xE0];
	_ =	sdelay $0x4  }
0xac: {  	v4 =	vshll.u32 v3, $0x3  }
0xad: {  	v3 =	vand.u32 $0x7F, v3;
	v4 =	vand.u32 $0xFFFFFC00, v4  }
0xae: {  	v3 =	vor.u32 v3, v4  }
0xaf: {  	v3 =	vadd.s32 v1, v3;
	_ =	sdelay $0x4  }
0xb0: {  	[tilespmem:v3+s19+$0x0] =	vst.idx.add.f32.msk $0xffff, v2  }
0xb1: {  	v3 =	vld [tilespmem:$0xF0];
	_ =	sdelay $0x4  }
0xb2: {  	v4 =	vshll.u32 v3, $0x3  }
0xb3: {  	v3 =	vand.u32 $0x7F, v3;
	v4 =	vand.u32 $0xFFFFFC00, v4  }
0xb4: {  	v3 =	vor.u32 v3, v4  }
0xb5: {  	v3 =	vadd.s32 v1, v3;
	_ =	sdelay $0x4  }
0xb6: {  	[tilespmem:v3+s19+$0x0] =	vst.idx.add.f32.msk $0xffff, v2  }
0xb7: {  	v3 =	vld [tilespmem:$0x100];
	_ =	sdelay $0x4  }
0xb8: {  	v4 =	vshll.u32 v3, $0x3  }
0xb9: {  	v3 =	vand.u32 $0x7F, v3;
	v4 =	vand.u32 $0xFFFFFC00, v4  }
0xba: {  	v3 =	vor.u32 v3, v4  }
0xbb: {  	v3 =	vadd.s32 v1, v3;
	_ =	sdelay $0x4  }
0xbc: {  	[tilespmem:v3+s19+$0x0] =	vst.idx.add.f32.msk $0xffff, v2  }
0xbd: {  	v3 =	vld [tilespmem:$0x110];
	_ =	sdelay $0x4  }
0xbe: {  	v4 =	vshll.u32 v3, $0x3  }
0xbf: {  	v3 =	vand.u32 $0x7F, v3;
	v4 =	vand.u32 $0xFFFFFC00, v4  }
0xc0: {  	v3 =	vor.u32 v3, v4  }
0xc1: {  	v3 =	vadd.s32 v1, v3;
	_ =	sdelay $0x4  }
0xc2: {  	[tilespmem:v3+s19+$0x0] =	vst.idx.add.f32.msk $0xffff, v2  }
0xc3: {  	v3 =	vld [tilespmem:$0x120];
	_ =	sdelay $0x4  }
0xc4: {  	v4 =	vshll.u32 v3, $0x3  }
0xc5: {  	v3 =	vand.u32 $0x7F, v3;
	v4 =	vand.u32 $0xFFFFFC00, v4  }
0xc6: {  	v3 =	vor.u32 v3, v4  }
0xc7: {  	v3 =	vadd.s32 v1, v3;
	_ =	sdelay $0x4  }
0xc8: {  	[tilespmem:v3+s19+$0x0] =	vst.idx.add.f32.msk $0xffff, v2  }
0xc9: {  	v3 =	vld [tilespmem:$0x130];
	_ =	sdelay $0x4  }
0xca: {  	v4 =	vshll.u32 v3, $0x3  }
0xcb: {  	v3 =	vand.u32 $0x7F, v3;
	v4 =	vand.u32 $0xFFFFFC00, v4  }
0xcc: {  	v3 =	vor.u32 v3, v4  }
0xcd: {  	v3 =	vadd.s32 v1, v3;
	_ =	sdelay $0x4  }
0xce: {  	[tilespmem:v3+s19+$0x0] =	vst.idx.add.f32.msk $0xffff, v2  }
0xcf: {  	v3 =	vld [tilespmem:$0x140];
	_ =	sdelay $0x4  }
0xd0: {  	v4 =	vshll.u32 v3, $0x3  }
0xd1: {  	v3 =	vand.u32 $0x7F, v3;
	v4 =	vand.u32 $0xFFFFFC00, v4  }
0xd2: {  	v3 =	vor.u32 v3, v4  }
0xd3: {  	v3 =	vadd.s32 v1, v3;
	_ =	sdelay $0x4  }
0xd4: {  	[tilespmem:v3+s19+$0x0] =	vst.idx.add.f32.msk $0xffff, v2  }
0xd5: {  	v3 =	vld [tilespmem:$0x150];
	_ =	sdelay $0x4  }
0xd6: {  	v4 =	vshll.u32 v3, $0x3  }
0xd7: {  	v3 =	vand.u32 $0x7F, v3;
	v4 =	vand.u32 $0xFFFFFC00, v4  }
0xd8: {  	v3 =	vor.u32 v3, v4  }
0xd9: {  	v3 =	vadd.s32 v1, v3;
	_ =	sdelay $0x4  }
0xda: {  	[tilespmem:v3+s19+$0x0] =	vst.idx.add.f32.msk $0xffff, v2  }
0xdb: {  	v3 =	vld [tilespmem:$0x160];
	_ =	sdelay $0x4  }
0xdc: {  	v4 =	vshll.u32 v3, $0x3  }
0xdd: {  	v3 =	vand.u32 $0x7F, v3;
	v4 =	vand.u32 $0xFFFFFC00, v4  }
0xde: {  	v3 =	vor.u32 v3, v4  }
0xdf: {  	v3 =	vadd.s32 v1, v3;
	_ =	sdelay $0x4  }
0xe0: {  	[tilespmem:v3+s19+$0x0] =	vst.idx.add.f32.msk $0xffff, v2  }
0xe1: {  	v3 =	vld [tilespmem:$0x170];
	_ =	sdelay $0x4  }
0xe2: {  	v4 =	vshll.u32 v3, $0x3  }
0xe3: {  	v3 =	vand.u32 $0x7F, v3;
	v4 =	vand.u32 $0xFFFFFC00, v4  }
0xe4: {  	v3 =	vor.u32 v3, v4  }
0xe5: {  	v3 =	vadd.s32 v1, v3;
	_ =	sdelay $0x4  }
0xe6: {  	[tilespmem:v3+s19+$0x0] =	vst.idx.add.f32.msk $0xffff, v2  }
0xe7: {  	v3 =	vld [tilespmem:$0x180];
	_ =	sdelay $0x4  }
0xe8: {  	v4 =	vshll.u32 v3, $0x3  }
0xe9: {  	v3 =	vand.u32 $0x7F, v3;
	v4 =	vand.u32 $0xFFFFFC00, v4  }
0xea: {  	v3 =	vor.u32 v3, v4  }
0xeb: {  	v3 =	vadd.s32 v1, v3;
	_ =	sdelay $0x4  }
0xec: {  	[tilespmem:v3+s19+$0x0] =	vst.idx.add.f32.msk $0xffff, v2  }
0xed: {  	v3 =	vld [tilespmem:$0x190];
	_ =	sdelay $0x4  }
0xee: {  	v4 =	vshll.u32 v3, $0x3  }
0xef: {  	v3 =	vand.u32 $0x7F, v3;
	v4 =	vand.u32 $0xFFFFFC00, v4  }
0xf0: {  	v3 =	vor.u32 v3, v4  }
0xf1: {  	v3 =	vadd.s32 v1, v3;
	_ =	sdelay $0x4  }
0xf2: {  	[tilespmem:v3+s19+$0x0] =	vst.idx.add.f32.msk $0xffff, v2  }
0xf3: {  	v3 =	vld [tilespmem:$0x1A0];
	_ =	sdelay $0x4  }
0xf4: {  	v4 =	vshll.u32 v3, $0x3  }
0xf5: {  	v3 =	vand.u32 $0x7F, v3;
	v4 =	vand.u32 $0xFFFFFC00, v4  }
0xf6: {  	v3 =	vor.u32 v3, v4  }
0xf7: {  	v3 =	vadd.s32 v1, v3;
	_ =	sdelay $0x4  }
0xf8: {  	[tilespmem:v3+s19+$0x0] =	vst.idx.add.f32.msk $0xffff, v2  }
0xf9: {  	v3 =	vld [tilespmem:$0x1B0];
	_ =	sdelay $0x4  }
0xfa: {  	v4 =	vshll.u32 v3, $0x3  }
0xfb: {  	v3 =	vand.u32 $0x7F, v3;
	v4 =	vand.u32 $0xFFFFFC00, v4  }
0xfc: {  	v3 =	vor.u32 v3, v4  }
0xfd: {  	v3 =	vadd.s32 v1, v3;
	_ =	sdelay $0x4  }
0xfe: {  	[tilespmem:v3+s19+$0x0] =	vst.idx.add.f32.msk $0xffff, v2  }
0xff: {  	v3 =	vld [tilespmem:$0x1C0];
	_ =	sdelay $0x4  }
0x100: {  	v4 =	vshll.u32 v3, $0x3  }
0x101: {  	v3 =	vand.u32 $0x7F, v3;
	v4 =	vand.u32 $0xFFFFFC00, v4  }
0x102: {  	v3 =	vor.u32 v3, v4  }
0x103: {  	v3 =	vadd.s32 v1, v3;
	_ =	sdelay $0x4  }
0x104: {  	[tilespmem:v3+s19+$0x0] =	vst.idx.add.f32.msk $0xffff, v2  }
0x105: {  	v3 =	vld [tilespmem:$0x1D0];
	_ =	sdelay $0x4  }
0x106: {  	v4 =	vshll.u32 v3, $0x3  }
0x107: {  	v3 =	vand.u32 $0x7F, v3;
	v4 =	vand.u32 $0xFFFFFC00, v4  }
0x108: {  	v3 =	vor.u32 v3, v4  }
0x109: {  	v3 =	vadd.s32 v1, v3;
	_ =	sdelay $0x4  }
0x10a: {  	[tilespmem:v3+s19+$0x0] =	vst.idx.add.f32.msk $0xffff, v2  }
0x10b: {  	v3 =	vld [tilespmem:$0x1E0];
	_ =	sdelay $0x4  }
0x10c: {  	v4 =	vshll.u32 v3, $0x3  }
0x10d: {  	v3 =	vand.u32 $0x7F, v3;
	v4 =	vand.u32 $0xFFFFFC00, v4  }
0x10e: {  	v3 =	vor.u32 v3, v4  }
0x10f: {  	v3 =	vadd.s32 v1, v3;
	_ =	sdelay $0x4  }
0x110: {  	[tilespmem:v3+s19+$0x0] =	vst.idx.add.f32.msk $0xffff, v2  }
0x111: {  	v3 =	vld [tilespmem:$0x1F0];
	_ =	sdelay $0x4  }
0x112: {  	v4 =	vshll.u32 v3, $0x3  }
0x113: {  	v3 =	vand.u32 $0x7F, v3;
	v4 =	vand.u32 $0xFFFFFC00, v4  }
0x114: {  	v3 =	vor.u32 v3, v4  }
0x115: {  	v3 =	vadd.s32 v1, v3;
	_ =	sdelay $0x2  }
0x116: {  	s5 =	sand.u32 $0x7C00, s8  }
0x117: {  	s2 =	sand.u32 $0x40, s8;
	s0 =	sor.u32 $0x8200, s5  }
0x118: {  	s6 =	sor.u32 s2, s0;
	[tilespmem:v3+s19+$0x0] =	vst.idx.add.f32.msk $0xffff, v2  }
0x119: {  	v3 =	vld [tilespmem:s6+$0x80]  }
0x11a: {  	v4 =	vld [tilespmem:s6+$0x0]  }
0x11b: {  	p0 =	por $0x0, $0x0;
	s7 =	simm.s32 $0x1  }
0x11c: {  	s7 =	simm.s32 @!p0 $0x0;
	v5 =	vld [tilespmem:s6+$0x100]  }
0x11d: {  	s7 =	sshll.u32 s7, $0x6  }
0x11e: {  	s21 =	sadd.s32 $0x0, s7;
	v6 =	vld [tilespmem:s6+$0x180]  }
0x11f: {  	s7 =	sor.u32 $0x200, s21;
	v3 =	vadd.f32 v3, v4  }
0x120: {  	v4 =	vld [tilespmem:s7+$0x8200]  }
0x121: {  	s23 =	sor.u32 $0x280, s21;
	v3 =	vadd.f32 v5, v3  }
0x122: {  	v5 =	vld [tilespmem:s23+$0x8200]  }
0x123: {  	s24 =	sor.u32 $0x300, s21;
	v3 =	vadd.f32 v6, v3  }
0x124: {  	v6 =	vld [tilespmem:s24+$0x8200]  }
0x125: {  	s25 =	sor.u32 $0x380, s21;
	v3 =	vadd.f32 v4, v3  }
0x126: {  	s16 =	sor.u32 $0x10200, s5;
	v4 =	vld [tilespmem:s25+$0x8200]  }
0x127: {  	s26 =	sor.u32 s2, s16;
	v3 =	vadd.f32 v5, v3  }
0x128: {  	s18 =	sor.u32 $0x10280, s5;
	v5 =	vld [tilespmem:s26+$0x0]  }
0x129: {  	s28 =	sor.u32 s2, s18;
	v3 =	vadd.f32 v6, v3  }
0x12a: {  	s22 =	sor.u32 $0x10300, s5;
	v6 =	vld [tilespmem:s28+$0x0]  }
0x12b: {  	s29 =	sor.u32 s2, s22;
	v3 =	vadd.f32 v4, v3  }
0x12c: {  	s23 =	sor.u32 $0x10380, s5;
	v4 =	vld [tilespmem:s29+$0x0]  }
0x12d: {  	s30 =	sor.u32 s2, s23;
	v3 =	vadd.f32 v5, v3  }
0x12e: {  	s24 =	sadd.s32 $0x10400, s5;
	v5 =	vld [tilespmem:s30+$0x0]  }
0x12f: {  	s31 =	sor.u32 s2, s24;
	v3 =	vadd.f32 v6, v3  }
0x130: {  	s26 =	sadd.s32 $0x10480, s5;
	v6 =	vld [tilespmem:s31+$0x0]  }
0x131: {  	s8 =	sor.u32 s2, s26;
	v3 =	vadd.f32 v4, v3  }
0x132: {  	s28 =	sadd.s32 $0x10500, s5;
	v4 =	vld [tilespmem:s8+$0x0]  }
0x133: {  	s10 =	sor.u32 s2, s28;
	v3 =	vadd.f32 v5, v3  }
0x134: {  	s25 =	sadd.s32 $0x10580, s5;
	v5 =	vld [tilespmem:s10+$0x0]  }
0x135: {  	s5 =	sor.u32 s2, s25;
	v3 =	vadd.f32 v6, v3  }
0x136: {  	v6 =	vld [tilespmem:s5+$0x0]  }
0x137: {  	v3 =	vadd.f32 v4, v3;
	_ =	sdelay $0x1  }
0x138: {  	v3 =	vadd.f32 v5, v3;
	_ =	sdelay $0x1  }
0x139: {  	s5 =	sor.u32 $0x10, s2;
	v3 =	vadd.f32 v6, v3  }
0x13a: {  	s7 =	sor.u32 s5, s0  }
0x13b: {  	v4 =	vld [tilespmem:s7+$0x80];
	[tilespmem:s6+$0x0] =	vst v3  }
0x13c: {  	v3 =	vld [tilespmem:s7+$0x0];
	_ =	sdelay $0x1  }
0x13d: {  	v5 =	vld [tilespmem:s7+$0x100];
	_ =	sdelay $0x1  }
0x13e: {  	s29 =	sadd.s32 $0x10, s21;
	v6 =	vld [tilespmem:s7+$0x180]  }
0x13f: {  	s8 =	sor.u32 $0x200, s29;
	v3 =	vadd.f32 v4, v3  }
0x140: {  	v4 =	vld [tilespmem:s8+$0x8200]  }
0x141: {  	s30 =	sor.u32 $0x280, s29;
	v3 =	vadd.f32 v5, v3  }
0x142: {  	v5 =	vld [tilespmem:s30+$0x8200]  }
0x143: {  	s31 =	sor.u32 $0x300, s29;
	v3 =	vadd.f32 v6, v3  }
0x144: {  	v6 =	vld [tilespmem:s31+$0x8200]  }
0x145: {  	s6 =	sor.u32 $0x380, s29;
	v3 =	vadd.f32 v4, v3  }
0x146: {  	v4 =	vld [tilespmem:s6+$0x8200]  }
0x147: {  	s8 =	sor.u32 s5, s16;
	v3 =	vadd.f32 v5, v3  }
0x148: {  	v5 =	vld [tilespmem:s8+$0x0]  }
0x149: {  	s10 =	sor.u32 s5, s18;
	v3 =	vadd.f32 v6, v3  }
0x14a: {  	v6 =	vld [tilespmem:s10+$0x0]  }
0x14b: {  	s29 =	sor.u32 s5, s22;
	v3 =	vadd.f32 v4, v3  }
0x14c: {  	v4 =	vld [tilespmem:s29+$0x0]  }
0x14d: {  	s30 =	sor.u32 s5, s23;
	v3 =	vadd.f32 v5, v3  }
0x14e: {  	v5 =	vld [tilespmem:s30+$0x0]  }
0x14f: {  	s31 =	sor.u32 s5, s24;
	v3 =	vadd.f32 v6, v3  }
0x150: {  	v6 =	vld [tilespmem:s31+$0x0]  }
0x151: {  	s8 =	sor.u32 s5, s26;
	v3 =	vadd.f32 v4, v3  }
0x152: {  	v4 =	vld [tilespmem:s8+$0x0]  }
0x153: {  	s10 =	sor.u32 s5, s28;
	v3 =	vadd.f32 v5, v3  }
0x154: {  	v5 =	vld [tilespmem:s10+$0x0]  }
0x155: {  	s5 =	sor.u32 s5, s25;
	v3 =	vadd.f32 v6, v3  }
0x156: {  	v6 =	vld [tilespmem:s5+$0x0]  }
0x157: {  	v3 =	vadd.f32 v4, v3;
	_ =	sdelay $0x1  }
0x158: {  	v3 =	vadd.f32 v5, v3;
	_ =	sdelay $0x1  }
0x159: {  	s5 =	sor.u32 $0x20, s2;
	v3 =	vadd.f32 v6, v3  }
0x15a: {  	s6 =	sor.u32 s5, s0  }
0x15b: {  	v4 =	vld [tilespmem:s6+$0x80];
	[tilespmem:s7+$0x0] =	vst v3  }
0x15c: {  	v3 =	vld [tilespmem:s6+$0x0];
	_ =	sdelay $0x1  }
0x15d: {  	v5 =	vld [tilespmem:s6+$0x100];
	_ =	sdelay $0x1  }
0x15e: {  	s29 =	sadd.s32 $0x20, s21;
	v6 =	vld [tilespmem:s6+$0x180]  }
0x15f: {  	s30 =	sor.u32 $0x200, s29;
	v3 =	vadd.f32 v4, v3  }
0x160: {  	v4 =	vld [tilespmem:s30+$0x8200]  }
0x161: {  	s31 =	sor.u32 $0x280, s29;
	v3 =	vadd.f32 v5, v3  }
0x162: {  	v5 =	vld [tilespmem:s31+$0x8200]  }
0x163: {  	s10 =	sor.u32 $0x300, s29;
	v3 =	vadd.f32 v6, v3  }
0x164: {  	v6 =	vld [tilespmem:s10+$0x8200]  }
0x165: {  	s7 =	sor.u32 $0x380, s29;
	v3 =	vadd.f32 v4, v3  }
0x166: {  	v4 =	vld [tilespmem:s7+$0x8200]  }
0x167: {  	s29 =	sor.u32 s5, s16;
	v3 =	vadd.f32 v5, v3  }
0x168: {  	v5 =	vld [tilespmem:s29+$0x0]  }
0x169: {  	s30 =	sor.u32 s5, s18;
	v3 =	vadd.f32 v6, v3  }
0x16a: {  	v6 =	vld [tilespmem:s30+$0x0]  }
0x16b: {  	s31 =	sor.u32 s5, s22;
	v3 =	vadd.f32 v4, v3  }
0x16c: {  	v4 =	vld [tilespmem:s31+$0x0]  }
0x16d: {  	s8 =	sor.u32 s5, s23;
	v3 =	vadd.f32 v5, v3  }
0x16e: {  	v5 =	vld [tilespmem:s8+$0x0]  }
0x16f: {  	s10 =	sor.u32 s5, s24;
	v3 =	vadd.f32 v6, v3  }
0x170: {  	v6 =	vld [tilespmem:s10+$0x0]  }
0x171: {  	s29 =	sor.u32 s5, s26;
	v3 =	vadd.f32 v4, v3  }
0x172: {  	v4 =	vld [tilespmem:s29+$0x0]  }
0x173: {  	s30 =	sor.u32 s5, s28;
	v3 =	vadd.f32 v5, v3  }
0x174: {  	v5 =	vld [tilespmem:s30+$0x0]  }
0x175: {  	s5 =	sor.u32 s5, s25;
	v3 =	vadd.f32 v6, v3  }
0x176: {  	v6 =	vld [tilespmem:s5+$0x0]  }
0x177: {  	v3 =	vadd.f32 v4, v3;
	_ =	sdelay $0x1  }
0x178: {  	v3 =	vadd.f32 v5, v3;
	_ =	sdelay $0x1  }
0x179: {  	s2 =	sor.u32 $0x30, s2;
	v3 =	vadd.f32 v6, v3  }
0x17a: {  	s5 =	sor.u32 s2, s0  }
0x17b: {  	[tilespmem:s6+$0x0] =	vst v3;
	v3 =	vld [tilespmem:s5+$0x80]  }
0x17c: {  	v4 =	vld [tilespmem:s5+$0x0];
	_ =	sdelay $0x1  }
0x17d: {  	v5 =	vld [tilespmem:s5+$0x100];
	_ =	sdelay $0x1  }
0x17e: {  	s31 =	sadd.s32 $0x30, s21;
	v6 =	vld [tilespmem:s5+$0x180]  }
0x17f: {  	s7 =	sor.u32 $0x200, s31;
	v3 =	vadd.f32 v3, v4  }
0x180: {  	v4 =	vld [tilespmem:s7+$0x8200]  }
0x181: {  	s8 =	sor.u32 $0x280, s31;
	v3 =	vadd.f32 v5, v3  }
0x182: {  	v5 =	vld [tilespmem:s8+$0x8200]  }
0x183: {  	s10 =	sor.u32 $0x300, s31;
	v3 =	vadd.f32 v6, v3  }
0x184: {  	v6 =	vld [tilespmem:s10+$0x8200]  }
0x185: {  	s0 =	sor.u32 $0x380, s31;
	v3 =	vadd.f32 v4, v3  }
0x186: {  	v4 =	vld [tilespmem:s0+$0x8200]  }
0x187: {  	s16 =	sor.u32 s2, s16;
	v3 =	vadd.f32 v5, v3  }
0x188: {  	v5 =	vld [tilespmem:s16+$0x0]  }
0x189: {  	s21 =	sor.u32 s2, s18;
	v3 =	vadd.f32 v6, v3  }
0x18a: {  	v6 =	vld [tilespmem:s21+$0x0]  }
0x18b: {  	s22 =	sor.u32 s2, s22;
	v3 =	vadd.f32 v4, v3  }
0x18c: {  	v4 =	vld [tilespmem:s22+$0x0]  }
0x18d: {  	s23 =	sor.u32 s2, s23;
	v3 =	vadd.f32 v5, v3  }
0x18e: {  	v5 =	vld [tilespmem:s23+$0x0]  }
0x18f: {  	s24 =	sor.u32 s2, s24;
	v3 =	vadd.f32 v6, v3  }
0x190: {  	v6 =	vld [tilespmem:s24+$0x0]  }
0x191: {  	s29 =	sor.u32 s2, s26;
	v3 =	vadd.f32 v4, v3  }
0x192: {  	v4 =	vld [tilespmem:s29+$0x0]  }
0x193: {  	v3 =	vadd.f32 v5, v3  }
0x194: {  	s30 =	sor.u32 s2, s28  }
0x195: {  	v5 =	vld [tilespmem:s30+$0x0];
	v3 =	vadd.f32 v6, v3  }
0x196: {  	s2 =	sor.u32 s2, s25  }
0x197: {  	s25 =	simm.s32 $0x200;
	v4 =	vadd.f32 v4, v3;
	v3 =	vld [tilespmem:s2+$0x0]  }
0x198: {  	p0 =	por !p0, !p0;
	s7 =	sand.u32 $0x7C00, s25  }
0x199: {  	s26 =	simm.s32 $0x80;
	s31 =	simm.s32 $0x40;
	s21 =	sor.u32 $0x10280, s7  }
0x19a: {  	s22 =	sor.u32 $0x10200, s7;
	s23 =	sand.u32 $0x40, s31;
	s24 =	sor.u32 $0x8200, s7;
	v4 =	vadd.f32 v5, v4  }
.LBB2_4:
0x19b: {  	s6 =	sor.u32 s23, s24;
	s16 =	sor.u32 $0x10300, s7  }
0x19c: {  	s0 =	sor.u32 $0x10380, s7;
	v3 =	vadd.f32 v3, v4;
	s28 =	smov.u32 s26;
	s2 =	sadd.s32 $0x10400, s7  }
0x19d: {  	s31 =	sadd.s32 $0x10480, s7;
	s29 =	sadd.s32 $0x10500, s7;
	p1 =	sne.s32 s26, $0xFC0;
	v4 =	vld [tilespmem:s6+$0x80]  }
0x19e: {  	s26 =	sadd.s32 $0x40, s26;
	s30 =	sadd.s32 $0x10580, s7;
	[tilespmem:s5+$0x0] =	vst v3;
	s5 =	simm.s32 $0x1  }
0x19f: {  	s5 =	simm.s32 @!p0 $0x0;
	v3 =	vld [tilespmem:s6+$0x0]  }
0x1a0: {  	s5 =	sshll.u32 s5, $0x6;
	v5 =	vld [tilespmem:s6+$0x100]  }
0x1a1: {  	s8 =	sadd.s32 s5, s25;
	v6 =	vld [tilespmem:s6+$0x180]  }
0x1a2: {  	s10 =	sor.u32 $0x200, s8;
	s7 =	sadd.s32 $0x10, s8;
	s5 =	sadd.s32 $0x20, s8  }
0x1a3: {  	s18 =	sadd.s32 $0x30, s8;
	v7 =	vld [tilespmem:s10+$0x8200]  }
0x1a4: {  	s10 =	sor.u32 $0x280, s8;
	v3 =	vadd.f32 v4, v3  }
0x1a5: {  	v4 =	vld [tilespmem:s10+$0x8200]  }
0x1a6: {  	s10 =	sor.u32 $0x300, s8;
	v3 =	vadd.f32 v5, v3  }
0x1a7: {  	v5 =	vld [tilespmem:s10+$0x8200]  }
0x1a8: {  	s8 =	sor.u32 $0x380, s8;
	v3 =	vadd.f32 v6, v3  }
0x1a9: {  	v6 =	vld [tilespmem:s8+$0x8200]  }
0x1aa: {  	s8 =	sor.u32 s23, s22;
	v3 =	vadd.f32 v7, v3  }
0x1ab: {  	v7 =	vld [tilespmem:s8+$0x0]  }
0x1ac: {  	s8 =	sor.u32 s23, s21;
	v3 =	vadd.f32 v4, v3  }
0x1ad: {  	v4 =	vld [tilespmem:s8+$0x0]  }
0x1ae: {  	s8 =	sor.u32 s23, s16;
	v3 =	vadd.f32 v5, v3  }
0x1af: {  	v5 =	vld [tilespmem:s8+$0x0]  }
0x1b0: {  	s8 =	sor.u32 s23, s0;
	v3 =	vadd.f32 v6, v3  }
0x1b1: {  	v6 =	vld [tilespmem:s8+$0x0]  }
0x1b2: {  	s8 =	sor.u32 s23, s2;
	v3 =	vadd.f32 v7, v3  }
0x1b3: {  	v7 =	vld [tilespmem:s8+$0x0]  }
0x1b4: {  	s8 =	sor.u32 s23, s31;
	v3 =	vadd.f32 v4, v3  }
0x1b5: {  	v4 =	vld [tilespmem:s8+$0x0]  }
0x1b6: {  	s8 =	sor.u32 s23, s29;
	v3 =	vadd.f32 v5, v3  }
0x1b7: {  	v5 =	vld [tilespmem:s8+$0x0]  }
0x1b8: {  	s8 =	sor.u32 s23, s30;
	v3 =	vadd.f32 v6, v3  }
0x1b9: {  	v6 =	vld [tilespmem:s8+$0x0]  }
0x1ba: {  	v3 =	vadd.f32 v7, v3;
	_ =	sdelay $0x1  }
0x1bb: {  	v3 =	vadd.f32 v4, v3;
	_ =	sdelay $0x1  }
0x1bc: {  	v3 =	vadd.f32 v5, v3  }
0x1bd: {  	s10 =	sor.u32 $0x10, s23  }
0x1be: {  	s8 =	sor.u32 s10, s24;
	v3 =	vadd.f32 v6, v3  }
0x1bf: {  	v4 =	vld [tilespmem:s8+$0x80]  }
0x1c0: {  	[tilespmem:s6+$0x0] =	vst v3  }
0x1c1: {  	v3 =	vld [tilespmem:s8+$0x0]  }
0x1c2: {  	v5 =	vld [tilespmem:s8+$0x100]  }
0x1c3: {  	v6 =	vld [tilespmem:s8+$0x180]  }
0x1c4: {  	s6 =	sor.u32 $0x200, s7  }
0x1c5: {  	v7 =	vld [tilespmem:s6+$0x8200]  }
0x1c6: {  	s6 =	sor.u32 $0x280, s7;
	v3 =	vadd.f32 v4, v3  }
0x1c7: {  	v4 =	vld [tilespmem:s6+$0x8200]  }
0x1c8: {  	s6 =	sor.u32 $0x300, s7;
	v3 =	vadd.f32 v5, v3  }
0x1c9: {  	v5 =	vld [tilespmem:s6+$0x8200]  }
0x1ca: {  	s6 =	sor.u32 $0x380, s7;
	v3 =	vadd.f32 v6, v3  }
0x1cb: {  	v6 =	vld [tilespmem:s6+$0x8200]  }
0x1cc: {  	s6 =	sor.u32 s10, s22;
	v3 =	vadd.f32 v7, v3  }
0x1cd: {  	v7 =	vld [tilespmem:s6+$0x0]  }
0x1ce: {  	s6 =	sor.u32 s10, s21;
	v3 =	vadd.f32 v4, v3  }
0x1cf: {  	v4 =	vld [tilespmem:s6+$0x0]  }
0x1d0: {  	s6 =	sor.u32 s10, s16;
	v3 =	vadd.f32 v5, v3  }
0x1d1: {  	v5 =	vld [tilespmem:s6+$0x0]  }
0x1d2: {  	s6 =	sor.u32 s10, s0;
	v3 =	vadd.f32 v6, v3  }
0x1d3: {  	v6 =	vld [tilespmem:s6+$0x0]  }
0x1d4: {  	s6 =	sor.u32 s10, s2;
	v3 =	vadd.f32 v7, v3  }
0x1d5: {  	v7 =	vld [tilespmem:s6+$0x0]  }
0x1d6: {  	s6 =	sor.u32 s10, s31;
	v3 =	vadd.f32 v4, v3  }
0x1d7: {  	v4 =	vld [tilespmem:s6+$0x0]  }
0x1d8: {  	s6 =	sor.u32 s10, s29;
	v3 =	vadd.f32 v5, v3  }
0x1d9: {  	v5 =	vld [tilespmem:s6+$0x0]  }
0x1da: {  	s6 =	sor.u32 s10, s30;
	v3 =	vadd.f32 v6, v3  }
0x1db: {  	v6 =	vld [tilespmem:s6+$0x0]  }
0x1dc: {  	v3 =	vadd.f32 v7, v3;
	_ =	sdelay $0x1  }
0x1dd: {  	v3 =	vadd.f32 v4, v3;
	_ =	sdelay $0x1  }
0x1de: {  	v3 =	vadd.f32 v5, v3  }
0x1df: {  	s7 =	sor.u32 $0x20, s23  }
0x1e0: {  	s6 =	sor.u32 s7, s24;
	v3 =	vadd.f32 v6, v3  }
0x1e1: {  	v4 =	vld [tilespmem:s6+$0x80]  }
0x1e2: {  	[tilespmem:s8+$0x0] =	vst v3  }
0x1e3: {  	v3 =	vld [tilespmem:s6+$0x0]  }
0x1e4: {  	v5 =	vld [tilespmem:s6+$0x100]  }
0x1e5: {  	v6 =	vld [tilespmem:s6+$0x180]  }
0x1e6: {  	s8 =	sor.u32 $0x200, s5  }
0x1e7: {  	v7 =	vld [tilespmem:s8+$0x8200]  }
0x1e8: {  	s8 =	sor.u32 $0x280, s5;
	v3 =	vadd.f32 v4, v3  }
0x1e9: {  	v4 =	vld [tilespmem:s8+$0x8200]  }
0x1ea: {  	s8 =	sor.u32 $0x300, s5;
	v3 =	vadd.f32 v5, v3  }
0x1eb: {  	v5 =	vld [tilespmem:s8+$0x8200]  }
0x1ec: {  	s5 =	sor.u32 $0x380, s5;
	v3 =	vadd.f32 v6, v3  }
0x1ed: {  	v6 =	vld [tilespmem:s5+$0x8200]  }
0x1ee: {  	s5 =	sor.u32 s7, s22;
	v3 =	vadd.f32 v7, v3  }
0x1ef: {  	v7 =	vld [tilespmem:s5+$0x0]  }
0x1f0: {  	s5 =	sor.u32 s7, s21;
	v3 =	vadd.f32 v4, v3  }
0x1f1: {  	v4 =	vld [tilespmem:s5+$0x0]  }
0x1f2: {  	s5 =	sor.u32 s7, s16;
	v3 =	vadd.f32 v5, v3  }
0x1f3: {  	v5 =	vld [tilespmem:s5+$0x0]  }
0x1f4: {  	s5 =	sor.u32 s7, s0;
	v3 =	vadd.f32 v6, v3  }
0x1f5: {  	v6 =	vld [tilespmem:s5+$0x0]  }
0x1f6: {  	s5 =	sor.u32 s7, s2;
	v3 =	vadd.f32 v7, v3  }
0x1f7: {  	v7 =	vld [tilespmem:s5+$0x0]  }
0x1f8: {  	s5 =	sor.u32 s7, s31;
	v3 =	vadd.f32 v4, v3  }
0x1f9: {  	v4 =	vld [tilespmem:s5+$0x0]  }
0x1fa: {  	s5 =	sor.u32 s7, s29;
	v3 =	vadd.f32 v5, v3  }
0x1fb: {  	v5 =	vld [tilespmem:s5+$0x0]  }
0x1fc: {  	s5 =	sor.u32 s7, s30;
	v3 =	vadd.f32 v6, v3  }
0x1fd: {  	v6 =	vld [tilespmem:s5+$0x0]  }
0x1fe: {  	v3 =	vadd.f32 v7, v3;
	_ =	sdelay $0x1  }
0x1ff: {  	v3 =	vadd.f32 v4, v3;
	_ =	sdelay $0x1  }
0x200: {  	v3 =	vadd.f32 v5, v3  }
0x201: {  	s7 =	sor.u32 $0x30, s23  }
0x202: {  	s5 =	sor.u32 s7, s24;
	v3 =	vadd.f32 v6, v3  }
0x203: {  	v4 =	vld [tilespmem:s5+$0x180]  }
0x204: {  	[tilespmem:s6+$0x0] =	vst v3;
	v3 =	vld [tilespmem:s5+$0x80]  }
0x205: {  	v5 =	vld [tilespmem:s5+$0x0]  }
0x206: {  	s6 =	sor.u32 $0x200, s18;
	v6 =	vld [tilespmem:s5+$0x100]  }
0x207: {  	v7 =	vld [tilespmem:s6+$0x8200];
	s6 =	sor.u32 $0x280, s18  }
0x208: {  	v8 =	vld [tilespmem:s6+$0x8200];
	s6 =	sor.u32 $0x300, s18  }
0x209: {  	v9 =	vld [tilespmem:s6+$0x8200];
	s6 =	sor.u32 $0x380, s18  }
0x20a: {  	v3 =	vadd.f32 v3, v5;
	v5 =	vld [tilespmem:s6+$0x8200];
	s6 =	sor.u32 s7, s22  }
0x20b: {  	v10 =	vld [tilespmem:s6+$0x0];
	s6 =	sor.u32 s7, s21  }
0x20c: {  	v3 =	vadd.f32 v6, v3;
	v6 =	vld [tilespmem:s6+$0x0];
	s6 =	sor.u32 s7, s16  }
0x20d: {  	s0 =	sor.u32 s7, s0;
	v11 =	vld [tilespmem:s6+$0x0]  }
0x20e: {  	v3 =	vadd.f32 v4, v3;
	v4 =	vld [tilespmem:s0+$0x0];
	s0 =	sor.u32 s7, s2  }
0x20f: {  	v12 =	vld [tilespmem:s0+$0x0];
	s0 =	sor.u32 s7, s31  }
0x210: {  	v3 =	vadd.f32 v7, v3;
	v7 =	vld [tilespmem:s0+$0x0];
	s0 =	sor.u32 s7, s29  }
0x211: {  	v13 =	vld [tilespmem:s0+$0x0];
	s0 =	sor.u32 s7, s30  }
0x212: {  	v8 =	vadd.f32 v8, v3;
	v3 =	vld [tilespmem:s0+$0x0];
	_ =	sdelay $0x1  }
0x213: {  	v8 =	vadd.f32 v9, v8;
	_ =	sdelay $0x1  }
0x214: {  	v5 =	vadd.f32 v5, v8;
	_ =	sdelay $0x1  }
0x215: {  	v5 =	vadd.f32 v10, v5;
	_ =	sdelay $0x1  }
0x216: {  	v5 =	vadd.f32 v6, v5;
	_ =	sdelay $0x1  }
0x217: {  	v5 =	vadd.f32 v11, v5;
	_ =	sdelay $0x1  }
0x218: {  	v4 =	vadd.f32 v4, v5;
	_ =	sdelay $0x1  }
0x219: {  	v4 =	vadd.f32 v12, v4  }
.Ltmp1:
0x21a: {  	(pc) =	sbr.rel @p1 .LBB2_4-.Ltmp1, $4  }
0x21b: {  	v4 =	vadd.f32 v7, v4  }
0x21c: {  	s25 =	sadd.s32 $0x200, s25  }
0x21d: {  	p0 =	por !p0, !p0;
	s23 =	sand.u32 $0x40, s28;
	s7 =	sand.u32 $0x7C00, s25;
	v4 =	vadd.f32 v13, v4  }
0x21e: {  	s24 =	sor.u32 $0x8200, s7;
	s22 =	sor.u32 $0x10200, s7;
	s21 =	sor.u32 $0x10280, s7  }
0x21f: {  	v3 =	vadd.f32 v3, v4  }
0x220: {  	s6 =	sor.u32 s23, s24  }
0x221: {  	v61 =	vld [tilespmem:s6+$0x80];
	[tilespmem:s5+$0x0] =	vst v3  }
0x222: {  	v3 =	vld [tilespmem:s6+$0x0]  }
0x223: {  	s0 =	simm.s32 $0x1  }
0x224: {  	s0 =	simm.s32 @!p0 $0x0;
	v5 =	vld [tilespmem:s6+$0x100]  }
0x225: {  	s0 =	sshll.u32 s0, $0x6  }
0x226: {  	v6 =	vld [tilespmem:s6+$0x180];
	s5 =	sadd.s32 s0, s25  }
0x227: {  	s0 =	sor.u32 $0x200, s5;
	v3 =	vadd.f32 v61, v3  }
0x228: {  	v62 =	vld [tilespmem:s0+$0x8200]  }
0x229: {  	s10 =	sor.u32 $0x280, s5;
	v3 =	vadd.f32 v5, v3  }
0x22a: {  	v63 =	vld [tilespmem:s10+$0x8200]  }
0x22b: {  	s16 =	sor.u32 $0x300, s5;
	v3 =	vadd.f32 v6, v3  }
0x22c: {  	v9 =	vld [tilespmem:s16+$0x8200]  }
0x22d: {  	s18 =	sor.u32 $0x380, s5;
	v3 =	vadd.f32 v62, v3  }
0x22e: {  	v10 =	vld [tilespmem:s18+$0x8200]  }
0x22f: {  	s25 =	sor.u32 s23, s22;
	v3 =	vadd.f32 v63, v3  }
0x230: {  	v11 =	vld [tilespmem:s25+$0x0]  }
0x231: {  	s2 =	sor.u32 s23, s21;
	v3 =	vadd.f32 v9, v3  }
0x232: {  	v12 =	vld [tilespmem:s2+$0x0];
	s0 =	sor.u32 $0x10300, s7  }
0x233: {  	s8 =	sor.u32 s23, s0;
	v3 =	vadd.f32 v10, v3  }
0x234: {  	s2 =	sor.u32 $0x10380, s7;
	v13 =	vld [tilespmem:s8+$0x0]  }
0x235: {  	s26 =	sor.u32 s23, s2;
	v3 =	vadd.f32 v11, v3  }
0x236: {  	s16 =	sadd.s32 $0x10400, s7;
	v14 =	vld [tilespmem:s26+$0x0]  }
0x237: {  	s28 =	sor.u32 s23, s16;
	v3 =	vadd.f32 v12, v3  }
0x238: {  	s18 =	sadd.s32 $0x10480, s7;
	v15 =	vld [tilespmem:s28+$0x0]  }
0x239: {  	s29 =	sor.u32 s23, s18;
	v3 =	vadd.f32 v13, v3  }
0x23a: {  	s25 =	sadd.s32 $0x10500, s7;
	v16 =	vld [tilespmem:s29+$0x0]  }
0x23b: {  	s30 =	sor.u32 s23, s25;
	v3 =	vadd.f32 v14, v3  }
0x23c: {  	s26 =	sadd.s32 $0x10580, s7;
	v17 =	vld [tilespmem:s30+$0x0]  }
0x23d: {  	s7 =	sor.u32 s23, s26;
	v3 =	vadd.f32 v15, v3  }
0x23e: {  	v18 =	vld [tilespmem:s7+$0x0]  }
0x23f: {  	v3 =	vadd.f32 v16, v3;
	_ =	sdelay $0x1  }
0x240: {  	v3 =	vadd.f32 v17, v3;
	_ =	sdelay $0x1  }
0x241: {  	s7 =	sor.u32 $0x10, s23;
	v3 =	vadd.f32 v18, v3  }
0x242: {  	s8 =	sor.u32 s7, s24  }
0x243: {  	v19 =	vld [tilespmem:s8+$0x80];
	[tilespmem:s6+$0x0] =	vst v3  }
0x244: {  	v3 =	vld [tilespmem:s8+$0x0];
	_ =	sdelay $0x1  }
0x245: {  	v20 =	vld [tilespmem:s8+$0x100];
	_ =	sdelay $0x1  }
0x246: {  	s31 =	sadd.s32 $0x10, s5;
	v21 =	vld [tilespmem:s8+$0x180]  }
0x247: {  	s10 =	sor.u32 $0x200, s31;
	v3 =	vadd.f32 v19, v3  }
0x248: {  	v22 =	vld [tilespmem:s10+$0x8200]  }
0x249: {  	s28 =	sor.u32 $0x280, s31;
	v3 =	vadd.f32 v20, v3  }
0x24a: {  	v23 =	vld [tilespmem:s28+$0x8200]  }
0x24b: {  	s29 =	sor.u32 $0x300, s31;
	v3 =	vadd.f32 v21, v3  }
0x24c: {  	v24 =	vld [tilespmem:s29+$0x8200]  }
0x24d: {  	s6 =	sor.u32 $0x380, s31;
	v3 =	vadd.f32 v22, v3  }
0x24e: {  	v25 =	vld [tilespmem:s6+$0x8200]  }
0x24f: {  	s30 =	sor.u32 s7, s22;
	v3 =	vadd.f32 v23, v3  }
0x250: {  	v26 =	vld [tilespmem:s30+$0x0]  }
0x251: {  	s31 =	sor.u32 s7, s21;
	v3 =	vadd.f32 v24, v3  }
0x252: {  	v27 =	vld [tilespmem:s31+$0x0]  }
0x253: {  	s10 =	sor.u32 s7, s0;
	v3 =	vadd.f32 v25, v3  }
0x254: {  	v28 =	vld [tilespmem:s10+$0x0]  }
0x255: {  	s28 =	sor.u32 s7, s2;
	v3 =	vadd.f32 v26, v3  }
0x256: {  	v29 =	vld [tilespmem:s28+$0x0]  }
0x257: {  	s29 =	sor.u32 s7, s16;
	v3 =	vadd.f32 v27, v3  }
0x258: {  	v30 =	vld [tilespmem:s29+$0x0]  }
0x259: {  	s30 =	sor.u32 s7, s18;
	v3 =	vadd.f32 v28, v3  }
0x25a: {  	v31 =	vld [tilespmem:s30+$0x0]  }
0x25b: {  	s31 =	sor.u32 s7, s25;
	v3 =	vadd.f32 v29, v3  }
0x25c: {  	v32 =	vld [tilespmem:s31+$0x0]  }
0x25d: {  	s10 =	sor.u32 s7, s26;
	v3 =	vadd.f32 v30, v3  }
0x25e: {  	v33 =	vld [tilespmem:s10+$0x0]  }
0x25f: {  	v3 =	vadd.f32 v31, v3;
	_ =	sdelay $0x1  }
0x260: {  	v3 =	vadd.f32 v32, v3;
	_ =	sdelay $0x1  }
0x261: {  	s6 =	sor.u32 $0x20, s23;
	v3 =	vadd.f32 v33, v3  }
0x262: {  	s7 =	sor.u32 s6, s24  }
0x263: {  	v34 =	vld [tilespmem:s7+$0x80];
	[tilespmem:s8+$0x0] =	vst v3  }
0x264: {  	v3 =	vld [tilespmem:s7+$0x0];
	_ =	sdelay $0x1  }
0x265: {  	v35 =	vld [tilespmem:s7+$0x100];
	_ =	sdelay $0x1  }
0x266: {  	s28 =	sadd.s32 $0x20, s5;
	v36 =	vld [tilespmem:s7+$0x180]  }
0x267: {  	s29 =	sor.u32 $0x200, s28;
	v3 =	vadd.f32 v34, v3  }
0x268: {  	v37 =	vld [tilespmem:s29+$0x8200]  }
0x269: {  	s30 =	sor.u32 $0x280, s28;
	v3 =	vadd.f32 v35, v3  }
0x26a: {  	v38 =	vld [tilespmem:s30+$0x8200]  }
0x26b: {  	s31 =	sor.u32 $0x300, s28;
	v3 =	vadd.f32 v36, v3  }
0x26c: {  	v39 =	vld [tilespmem:s31+$0x8200]  }
0x26d: {  	s8 =	sor.u32 $0x380, s28;
	v3 =	vadd.f32 v37, v3  }
0x26e: {  	v40 =	vld [tilespmem:s8+$0x8200]  }
0x26f: {  	s28 =	sor.u32 s6, s22;
	v3 =	vadd.f32 v38, v3  }
0x270: {  	v41 =	vld [tilespmem:s28+$0x0]  }
0x271: {  	s29 =	sor.u32 s6, s21;
	v3 =	vadd.f32 v39, v3  }
0x272: {  	v42 =	vld [tilespmem:s29+$0x0]  }
0x273: {  	s30 =	sor.u32 s6, s0;
	v3 =	vadd.f32 v40, v3  }
0x274: {  	v43 =	vld [tilespmem:s30+$0x0]  }
0x275: {  	s31 =	sor.u32 s6, s2;
	v3 =	vadd.f32 v41, v3  }
0x276: {  	v44 =	vld [tilespmem:s31+$0x0]  }
0x277: {  	s10 =	sor.u32 s6, s16;
	v3 =	vadd.f32 v42, v3  }
0x278: {  	v45 =	vld [tilespmem:s10+$0x0]  }
0x279: {  	s28 =	sor.u32 s6, s18;
	v3 =	vadd.f32 v43, v3  }
0x27a: {  	v46 =	vld [tilespmem:s28+$0x0]  }
0x27b: {  	s29 =	sor.u32 s6, s25;
	v3 =	vadd.f32 v44, v3  }
0x27c: {  	v47 =	vld [tilespmem:s29+$0x0]  }
0x27d: {  	s6 =	sor.u32 s6, s26;
	v3 =	vadd.f32 v45, v3  }
0x27e: {  	v48 =	vld [tilespmem:s6+$0x0]  }
0x27f: {  	v3 =	vadd.f32 v46, v3;
	_ =	sdelay $0x1  }
0x280: {  	v3 =	vadd.f32 v47, v3;
	_ =	sdelay $0x1  }
0x281: {  	s6 =	sor.u32 $0x30, s23;
	v3 =	vadd.f32 v48, v3  }
0x282: {  	s8 =	sor.u32 s6, s24  }
0x283: {  	[tilespmem:s7+$0x0] =	vst v3;
	v3 =	vld [tilespmem:s8+$0x80]  }
0x284: {  	v49 =	vld [tilespmem:s8+$0x0];
	_ =	sdelay $0x1  }
0x285: {  	v50 =	vld [tilespmem:s8+$0x100];
	_ =	sdelay $0x1  }
0x286: {  	s5 =	sadd.s32 $0x30, s5;
	v51 =	vld [tilespmem:s8+$0x180]  }
0x287: {  	s30 =	sor.u32 $0x200, s5;
	v3 =	vadd.f32 v3, v49  }
0x288: {  	v52 =	vld [tilespmem:s30+$0x8200]  }
0x289: {  	s31 =	sor.u32 $0x280, s5;
	v3 =	vadd.f32 v50, v3  }
0x28a: {  	v53 =	vld [tilespmem:s31+$0x8200]  }
0x28b: {  	s10 =	sor.u32 $0x300, s5;
	v3 =	vadd.f32 v51, v3  }
0x28c: {  	v54 =	vld [tilespmem:s10+$0x8200]  }
0x28d: {  	s5 =	sor.u32 $0x380, s5;
	v3 =	vadd.f32 v52, v3  }
0x28e: {  	v55 =	vld [tilespmem:s5+$0x8200]  }
0x28f: {  	s22 =	sor.u32 s6, s22;
	v3 =	vadd.f32 v53, v3  }
0x290: {  	v56 =	vld [tilespmem:s22+$0x0]  }
0x291: {  	s23 =	sor.u32 s6, s21;
	v3 =	vadd.f32 v54, v3  }
0x292: {  	v57 =	vld [tilespmem:s23+$0x0]  }
0x293: {  	s0 =	sor.u32 s6, s0;
	v3 =	vadd.f32 v55, v3  }
0x294: {  	v58 =	vld [tilespmem:s0+$0x0]  }
0x295: {  	s24 =	sor.u32 s6, s2;
	v3 =	vadd.f32 v56, v3  }
0x296: {  	v59 =	vld [tilespmem:s24+$0x0]  }
0x297: {  	s28 =	sor.u32 s6, s16;
	v3 =	vadd.f32 v57, v3  }
0x298: {  	v60 =	vld [tilespmem:s28+$0x0]  }
0x299: {  	s29 =	sor.u32 s6, s18;
	v3 =	vadd.f32 v58, v3  }
0x29a: {  	v61 =	vld [tilespmem:s29+$0x0]  }
0x29b: {  	s30 =	sor.u32 s6, s25;
	v3 =	vadd.f32 v59, v3  }
0x29c: {  	v62 =	vld [tilespmem:s30+$0x0]  }
0x29d: {  	s31 =	sor.u32 s6, s26;
	v3 =	vadd.f32 v60, v3  }
0x29e: {  	v63 =	vld [tilespmem:s31+$0x0]  }
0x29f: {  	v3 =	vadd.f32 v61, v3;
	_ =	sdelay $0x1  }
0x2a0: {  	v3 =	vadd.f32 v62, v3;
	_ =	sdelay $0x1  }
0x2a1: {  	v3 =	vadd.f32 v63, v3  }
0x2a2: {  	s2 =	simm.s32 $0x80  }
0x2a3: {  	s0 =	simm.s32 $0x8200;
	s6 =	sadd.s32 $0x0, s9;
	s5 =	simm.s32 $0x8600;
	[tilespmem:s8+$0x0] =	vst v3  }
.LBB2_6:
0x2a4: {  	[hbm4b:s6+s1] =	stream.linear.scatter [tilespmem:s0], [sflag:$0x3], $0x80, $0x38;
	[tilespmem:$0x18200] =	vst v63  }
0x2a5: {  	s6 =	smov.u32 s2;
	s0 =	smov.u32 s5;
	p0 =	sne.s32 s2, $0xF80  }
.Ltmp2:
0x2a6: {  	s2 =	sadd.s32 $0x80, s2;
	(pc) =	sbr.rel @p0 .LBB2_6-.Ltmp2, $2  }
0x2a7: {  	_ =	sdelay $0x2  }
0x2a8: {  	s5 =	sadd.s32 $0x400, s5;
	s6 =	sadd.s32 s6, s9  }
0x2a9: {  	[hbm4b:s6+s1] =	stream.linear.scatter [tilespmem:s0], [sflag:$0x3], $0x80, $0x38;
	[tilespmem:$0x18200] =	vst v63  }
0x2aa: {  	_ =	swait.ge [sflag:s11], $0x1000  }
0x2ab: {  	s20 =	sadd.s32 $0x1, s20;
	s31 =	rddreg [dreg:$0x7]  }
0x2ac: {  	p0 =	sne.s32 s20, s31  }
.Ltmp3:
0x2ad: {  	_ = 	snop;
	(pc) =	sbr.rel @p0 .LBB2_1-.Ltmp3, $3  }
0x2ae: {  	_ =	sdelay $0x1  }
0x2af: {  	[sflag:s11] =	ssyncset.done $0x0  }
0x2b0: {  	[sflag:s11] =	ssyncadd.s32 $0xFFFFF000  }
0x2b1: {  	_ =	sfence.sel $0x180000  }
0x2b2: {  	[bflag:$0x0] =	sbarrier.arrive $0xFFFF  }
0x2b3: {  	_ =	strace $0x90000047  }
0x2b4: {  	s0 =	stileid.u32;
	[bflag:$0x2] =	sbarrier.arrive $0xFFFF  }
0x2b5: {  	p0 =	sne.s32 s0, $0x0;
	s0 =	rddreg [dreg:$0x2]  }
0x2b6: {  	s0 =	sadd.s32 @!p0 $0x100000, s0  }
0x2b7: {  	[sflag:s0] =	ssyncadd.tile.s32 @!p0 $0x1;
	_ =	shalt  }
.Lfunc_end2:
_tile_overlayer_lowered:
.L_overlay_start_2:
0x2b8: {  	(tag) =	ssettag $0x2  }
0x2b9: {  	s0 =	rddreg [dreg:$0x0];
	s2 =	stileid.u32  }
0x2ba: {  	s1 =	rddreg [dreg:$0x1];
	p0 =	sne.s32 s2, $0x0  }
0x2bb: {  	s3 =	rddreg [dreg:$0x2];
	[bflag:$0x3] =	sbarrier.arrive $0xFFFF;
	s2 =	simm.s32 @!p0 $0x1C03  }
0x2bc: {  	[timem:s3], [sflag:s2] =	dma.local @!p0 [hbm:s0], s1  }
0x2bd: {  	s0 =	simm.s32 @!p0 $0x3  }
0x2be: {  	_ =	swait.ge @!p0 [sflag:s0], s1  }
0x2bf: {  	s1 =	ssub.s32 @!p0 $0x0, s1;
	[sflag:s0] =	ssyncset.done @!p0 $0x0  }
0x2c0: {  	[sflag:s0] =	ssyncadd.s32 @!p0 s1  }
0x2c1: {  	[bflag:$0x3] =	sbarrier.arrive $0xFFFF  }
0x2c2: {  	_ =	shalt  }

</sc_bundles>
